<compile_context>
chip_gen: v7x
topology: tpu7x:2x2x1
jax: 0.10.2.dev20260603
libtpu: 0.0.44.dev20260713+nightly
codegen_flags: <defaults>
</compile_context>

<pallas_src>
import functools

import jax
import jax.numpy as jnp
from jax import lax
from jax.experimental import pallas as pl
from jax.experimental.pallas import tpu as pltpu
from jax.experimental.pallas import tpu_sc as plsc

BATCH = 1024
INPUT_DIM = 2048
NUM_GROUPS = 8
GROUP_SIZE = 256
TB = 128
NVEC = INPUT_DIM // 16

_MSB = -2147483648


def _gumbel_noise():
    nkey = jax.random.fold_in(jax.random.key(42), 7)
    u = jax.random.uniform(nkey, (NUM_GROUPS, INPUT_DIM), dtype=jnp.float32,
                           minval=1e-7, maxval=1.0 - 1e-7)
    return -jnp.log(-jnp.log(u))


def _sc_mask(probs):
    mesh = plsc.VectorSubcoreMesh(core_axis_name="c", subcore_axis_name="s")

    @functools.partial(
        pl.kernel, mesh=mesh,
        out_type=jax.ShapeDtypeStruct((NUM_GROUPS, INPUT_DIM), jnp.float32),
        scratch_types=[
            pltpu.VMEM((INPUT_DIM,), jnp.float32),
            pltpu.VMEM((INPUT_DIM,), jnp.int32),
            pltpu.VMEM((INPUT_DIM,), jnp.float32),
            pltpu.VMEM((16,), jnp.int32),
        ],
    )
    def k(probs_hbm, mask_hbm, row_v, s_v, m_v, acc_v):
        wid = lax.axis_index("s") * 2 + lax.axis_index("c")

        @pl.when(wid < NUM_GROUPS)
        def _work():
            one = jnp.full((16,), 1, jnp.int32)
            zero = jnp.zeros((16,), jnp.int32)
            pltpu.sync_copy(probs_hbm.at[wid], row_v)

            def emb_body(i, carry):
                b = lax.bitcast_convert_type(row_v[pl.ds(i * 16, 16)],
                                             jnp.int32)
                s_v[pl.ds(i * 16, 16)] = jnp.where(
                    b >= 0, b, b ^ jnp.int32(0x7FFFFFFF))
                return carry

            lax.fori_loop(0, NVEC, emb_body, jnp.int32(0))

            def lane_total(vec):
                t = vec[0]
                for j in range(1, 16):
                    t = t + vec[j]
                return t

            def count_pred(tvec, strict):
                def body(i, acc):
                    v = s_v[pl.ds(i * 16, 16)]
                    p = jnp.where(strict, v > tvec, v >= tvec)
                    return acc + jnp.where(p, one, zero)

                return lane_total(
                    lax.fori_loop(0, NVEC, body, zero))

            def bit_body(t, tu):
                cand = tu | (jnp.int32(1) << (jnp.int32(31) - t))
                tvec = jnp.full((16,), cand ^ jnp.int32(_MSB), jnp.int32)
                cnt = count_pred(tvec, jnp.bool_(False))
                return jnp.where(cnt >= GROUP_SIZE, cand, tu)

            tu = lax.fori_loop(0, 32, bit_body, jnp.int32(0))
            t_s = tu ^ jnp.int32(_MSB)
            tvec = jnp.full((16,), t_s, jnp.int32)

            cnt_ge = count_pred(tvec, jnp.bool_(False))

            @pl.when(cnt_ge == GROUP_SIZE)
            def _no_ties():
                def body(i, carry):
                    v = s_v[pl.ds(i * 16, 16)]
                    m_v[pl.ds(i * 16, 16)] = jnp.where(
                        v >= tvec, jnp.float32(1.0), jnp.float32(0.0))
                    return carry

                lax.fori_loop(0, NVEC, body, jnp.int32(0))

            @pl.when(cnt_ge != GROUP_SIZE)
            def _ties():
                cnt_gt = count_pred(tvec, jnp.bool_(True))
                need_eq = jnp.int32(GROUP_SIZE) - cnt_gt

                def cnt_eq_le(m):
                    mvec = jnp.full((16,), m, jnp.int32)

                    def body(i, acc):
                        v = s_v[pl.ds(i * 16, 16)]
                        gidx = lax.iota(jnp.int32, 16) + jnp.full(
                            (16,), i * 16, jnp.int32)
                        p = (v == tvec) & (gidx <= mvec)
                        return acc + jnp.where(p, one, zero)

                    return lane_total(
                        lax.fori_loop(0, NVEC, body, zero))

                def search_body(t, lohi):
                    lo, hi = lohi
                    mid = (lo + hi) // 2
                    c = cnt_eq_le(mid)
                    take = c >= need_eq
                    return (jnp.where(take, lo, mid + 1),
                            jnp.where(take, mid, hi))

                lo, _ = lax.fori_loop(0, 11, search_body,
                                      (jnp.int32(0),
                                       jnp.int32(INPUT_DIM - 1)))
                mvec = jnp.full((16,), lo, jnp.int32)

                def body(i, carry):
                    v = s_v[pl.ds(i * 16, 16)]
                    gidx = lax.iota(jnp.int32, 16) + jnp.full(
                        (16,), i * 16, jnp.int32)
                    sel = (v > tvec) | ((v == tvec) & (gidx <= mvec))
                    m_v[pl.ds(i * 16, 16)] = jnp.where(
                        sel, jnp.float32(1.0), jnp.float32(0.0))
                    return carry

                lax.fori_loop(0, NVEC, body, jnp.int32(0))

            pltpu.sync_copy(m_v, mask_hbm.at[wid])

    return k(probs)


def _bcast_kernel(x_ref, mask_ref, grouped_ref):
    grouped_ref[...] = mask_ref[...][:, None, :] * x_ref[...][None, :, :]


def kernel(x, group_logits):
    probs = jax.nn.softmax((group_logits + _gumbel_noise()) / 1.0, axis=-1)
    mask = _sc_mask(probs)
    grouped = pl.pallas_call(
        _bcast_kernel,
        grid=(BATCH // TB,),
        in_specs=[
            pl.BlockSpec((TB, INPUT_DIM), lambda i: (i, 0)),
            pl.BlockSpec((NUM_GROUPS, INPUT_DIM), lambda i: (0, 0)),
        ],
        out_specs=pl.BlockSpec((NUM_GROUPS, TB, INPUT_DIM),
                               lambda i: (0, i, 0)),
        out_shape=jax.ShapeDtypeStruct((NUM_GROUPS, BATCH, INPUT_DIM),
                                       jnp.float32),
        compiler_params=pltpu.CompilerParams(
            dimension_semantics=("arbitrary",),
        ),
    )(x, mask)
    return (grouped, mask)

# --- scband reference (transcript-rebuilt; emitter-appended) ---
"""Pipeline reference for scband-correlated-group-selector-57595511439612 (READ-ONLY COPY).

The authoritative reference and input builder live on the scoring server;
editing this copy changes nothing except your own understanding.
"""

import jax, jax.numpy as jnp
import numpy as np

BATCH = 1024
INPUT_DIM = 2048
NUM_GROUPS = 8
GROUP_SIZE = 256
TEMPERATURE = 1.0


def setup_inputs(seed: int = 0) -> dict:
    key = jax.random.key(seed)
    k1, k2 = jax.random.split(key)
    x = jax.random.normal(k1, (BATCH, INPUT_DIM), dtype=jnp.float32)
    group_logits = jax.random.normal(k2, (NUM_GROUPS, INPUT_DIM), dtype=jnp.float32)
    return {"x": x, "group_logits": group_logits}


def reference(x, group_logits):
    # Gumbel noise (torch.rand_like -> fixed-key uniform for determinism)
    nkey = jax.random.fold_in(jax.random.key(42), 7)
    u = jax.random.uniform(nkey, group_logits.shape, dtype=group_logits.dtype,
                           minval=1e-7, maxval=1.0 - 1e-7)
    gumbel_noise = -jnp.log(-jnp.log(u))
    logits = group_logits + gumbel_noise
    probs = jax.nn.softmax(logits / TEMPERATURE, axis=-1)
    # top-k per group, scatter 1.0 into mask
    _, topk_idx = jax.lax.top_k(probs, GROUP_SIZE)
    mask = jnp.zeros_like(probs)
    mask = jax.vmap(lambda m, i: m.at[i].set(1.0))(mask, topk_idx)
    # grouped_inputs: list of (batch, input_dim) -> stacked (num_groups, batch, input_dim)
    grouped = mask[:, None, :] * x[None, :, :]
    return (grouped, mask)

if __name__ == "__main__":
    import jax
    _d = setup_inputs()
    print(jax.jit(kernel)(*tuple(_d.values())))

</pallas_src>

<mosaic_0001>
#map = affine_map<(d0, d1) -> (0, 0)>
module attributes {stable_mosaic.version = 14 : i64} {
  func.func @k(%arg0: i32, %arg1: i32, %arg2: memref<8x2048xf32, #tpu.memory_space<hbm>>, %arg3: memref<8x2048xf32, #tpu.memory_space<hbm>>, %arg4: memref<2048xf32, #tpu.memory_space<vmem>>, %arg5: memref<2048xi32, #tpu.memory_space<vmem>>, %arg6: memref<2048xf32, #tpu.memory_space<vmem>>, %arg7: memref<16xi32, #tpu.memory_space<vmem>>) attributes {dimension_semantics = [#tpu.dimension_semantics<core_parallel>, #tpu.dimension_semantics<subcore_parallel>], iteration_bounds = array<i64: 2, 16>, scalar_prefetch = 0 : i64, scratch_operands = 4 : i64, tpu.core_type = #tpu.core_type<sc_vector_subcore>, window_params = [{transform_indices = #map}, {transform_indices = #map}]} {
    %mul3A = arith.constant 2 : i32
    %mul3A_0 = arith.muli %arg1, %mul3A : i32
    %add3A = arith.addi %mul3A_0, %arg0 : i32
    %lt3A = arith.constant 8 : i32
    %lt3A_1 = arith.cmpi slt, %add3A, %lt3A : i32
    %convert_element_type3A = arith.extui %lt3A_1 : i1 to i32
    %cond3A = arith.constant 0 : i32
    %cond3A_2 = arith.cmpi ne, %convert_element_type3A, %cond3A : i32
    scf.if %cond3A_2 {
      %broadcast_in_dim3A = arith.constant 1 : i32
      %broadcast_in_dim3A_3 = vector.broadcast %broadcast_in_dim3A : i32 to vector<16xi32>
      %broadcast_in_dim3A_4 = arith.constant 0 : i32
      %broadcast_in_dim3A_5 = vector.broadcast %broadcast_in_dim3A_4 : i32 to vector<16xi32>
      "tpu.region"() ({
        %run_scoped3A = tpu.sem_alloc : memref<!tpu.dma_semaphore, #tpu.memory_space<semaphore_mem>>
        %dma_start3A = arith.constant 0 : i32
        %dma_start3A_80 = tpu.memref_slice %arg2[%add3A, %dma_start3A] : memref<8x2048xf32, #tpu.memory_space<hbm>> -> memref<1x2048xf32, #tpu.memory_space<hbm>>
        %dma_start3A_81 = tpu.memref_squeeze %dma_start3A_80 : memref<1x2048xf32, #tpu.memory_space<hbm>> -> memref<2048xf32, #tpu.memory_space<hbm>>
        %dma_start3A_82 = arith.constant 0 : i32
        %dma_start3A_83 = tpu.memref_slice %arg2[%add3A, %dma_start3A_82] : memref<8x2048xf32, #tpu.memory_space<hbm>> -> memref<1x2048xf32, #tpu.memory_space<hbm>>
        %dma_start3A_84 = tpu.memref_squeeze %dma_start3A_83 : memref<1x2048xf32, #tpu.memory_space<hbm>> -> memref<2048xf32, #tpu.memory_space<hbm>>
        tpu.enqueue_dma source(%dma_start3A_84 : memref<2048xf32, #tpu.memory_space<hbm>>) target(%arg4 : memref<2048xf32, #tpu.memory_space<vmem>>) target_semaphore(%run_scoped3A : memref<!tpu.dma_semaphore, #tpu.memory_space<semaphore_mem>>)
        %dma_wait3A = arith.constant 0 : i32
        %dma_wait3A_85 = tpu.memref_slice %arg2[%add3A, %dma_wait3A] : memref<8x2048xf32, #tpu.memory_space<hbm>> -> memref<1x2048xf32, #tpu.memory_space<hbm>>
        %dma_wait3A_86 = tpu.memref_squeeze %dma_wait3A_85 : memref<1x2048xf32, #tpu.memory_space<hbm>> -> memref<2048xf32, #tpu.memory_space<hbm>>
        %dma_wait3A_87 = arith.constant 0 : i32
        %dma_wait3A_88 = tpu.memref_slice %arg2[%add3A, %dma_wait3A_87] : memref<8x2048xf32, #tpu.memory_space<hbm>> -> memref<1x2048xf32, #tpu.memory_space<hbm>>
        %dma_wait3A_89 = tpu.memref_squeeze %dma_wait3A_88 : memref<1x2048xf32, #tpu.memory_space<hbm>> -> memref<2048xf32, #tpu.memory_space<hbm>>
        tpu.wait_dma2 semaphore(%run_scoped3A : memref<!tpu.dma_semaphore, #tpu.memory_space<semaphore_mem>>) src(%dma_wait3A_89 : memref<2048xf32, #tpu.memory_space<hbm>>) dst(%arg4 : memref<2048xf32, #tpu.memory_space<vmem>>)
        tpu.yield
      }) : () -> ()
      %scan3A = arith.constant 0 : i32
      %scan3A_6 = arith.constant 0 : i32
      %scan3A_7 = arith.constant 128 : i32
      %scan3A_8 = arith.addi %scan3A_6, %scan3A_7 : i32
      %scan3A_9 = arith.constant 1 : i32
      scf.for %scan3A_80 = %scan3A_6 to %scan3A_8 step %scan3A_9  : i32 {
        %mul3A_81 = arith.constant 16 : i32
        %mul3A_82 = arith.muli %scan3A_80, %mul3A_81 : i32
        %get3A = arith.index_cast %mul3A_82 : i32 to index
        %get3A_83 = tpu.vector_load %arg4[%get3A] {strides = array<i32>} : memref<2048xf32, #tpu.memory_space<vmem>>, vector<16xf32>,
        %get3A_84 = vector.shape_cast %get3A_83 : vector<16xf32> to vector<16xf32>
        %bitcast_convert_type3A = tpu.bitcast %get3A_84 : vector<16xf32> -> vector<16xi32>
        %ge3A = arith.constant 0 : i32
        %ge3A_85 = vector.broadcast %ge3A : i32 to vector<16xi32>
        %ge3A_86 = arith.cmpi sge, %bitcast_convert_type3A, %ge3A_85 : vector<16xi32>
        %xor3A_87 = arith.constant 2147483647 : i32
        %xor3A_88 = vector.broadcast %xor3A_87 : i32 to vector<16xi32>
        %xor3A_89 = arith.xori %bitcast_convert_type3A, %xor3A_88 : vector<16xi32>
        %select_n3A = arith.select %ge3A_86, %bitcast_convert_type3A, %xor3A_89 : vector<16xi1>, vector<16xi32>
        %mul3A_90 = arith.constant 16 : i32
        %mul3A_91 = arith.muli %scan3A_80, %mul3A_90 : i32
        %swap3A = arith.index_cast %mul3A_91 : i32 to index
        %swap3A_92 = tpu.vector_load %arg5[%swap3A] {strides = array<i32>} : memref<2048xi32, #tpu.memory_space<vmem>>, vector<16xi32>,
        %swap3A_93 = vector.shape_cast %swap3A_92 : vector<16xi32> to vector<16xi32>
        %swap3A_94 = vector.shape_cast %select_n3A : vector<16xi32> to vector<16xi32>
        tpu.vector_store %arg5[%swap3A], %swap3A_94 {strides = array<i32>} : memref<2048xi32, #tpu.memory_space<vmem>>, vector<16xi32>,
      }
      %scan3A_10 = arith.constant 128 : i32
      %scan3A_11 = arith.constant 0 : i32
      %scan3A_12 = arith.constant 0 : i32
      %scan3A_13 = arith.constant 32 : i32
      %scan3A_14 = arith.addi %scan3A_12, %scan3A_13 : i32
      %scan3A_15 = arith.constant 1 : i32
      %scan3A_16 = scf.for %scan3A_80 = %scan3A_12 to %scan3A_14 step %scan3A_15 iter_args(%scan3A_81 = %scan3A_11) -> (i32)  : i32 {
        %sub3A = arith.constant 31 : i32
        %sub3A_82 = arith.subi %sub3A, %scan3A_80 : i32
        %shift_left3A = arith.constant 1 : i32
        %shift_left3A_83 = arith.shli %shift_left3A, %sub3A_82 : i32
        %or3A = arith.ori %scan3A_81, %shift_left3A_83 : i32
        %xor3A_84 = arith.constant -2147483648 : i32
        %xor3A_85 = arith.xori %or3A, %xor3A_84 : i32
        %broadcast_in_dim3A_86 = vector.broadcast %xor3A_85 : i32 to vector<16xi32>
        %scan3A_87 = arith.constant false
        %scan3A_88 = arith.constant 0 : i32
        %scan3A_89 = arith.constant 128 : i32
        %scan3A_90 = arith.addi %scan3A_88, %scan3A_89 : i32
        %scan3A_91 = arith.constant 1 : i32
        %scan3A_92 = scf.for %scan3A_142 = %scan3A_88 to %scan3A_90 step %scan3A_91 iter_args(%scan3A_143 = %broadcast_in_dim3A_5) -> (vector<16xi32>)  : i32 {
          %mul3A_144 = arith.constant 16 : i32
          %mul3A_145 = arith.muli %scan3A_142, %mul3A_144 : i32
          %get3A = arith.index_cast %mul3A_145 : i32 to index
          %get3A_146 = tpu.vector_load %arg5[%get3A] {strides = array<i32>} : memref<2048xi32, #tpu.memory_space<vmem>>, vector<16xi32>,
          %get3A_147 = vector.shape_cast %get3A_146 : vector<16xi32> to vector<16xi32>
          %gt3A = arith.cmpi sgt, %get3A_147, %broadcast_in_dim3A_86 : vector<16xi32>
          %ge3A_148 = arith.cmpi sge, %get3A_147, %broadcast_in_dim3A_86 : vector<16xi32>
          %select_n3A_149 = arith.select %scan3A_87, %gt3A, %ge3A_148 : vector<16xi1>
          %select_n3A_150 = arith.select %select_n3A_149, %broadcast_in_dim3A_3, %broadcast_in_dim3A_5 : vector<16xi1>, vector<16xi32>
          %add3A_151 = arith.addi %scan3A_143, %select_n3A_150 : vector<16xi32>
          scf.yield %add3A_151 : vector<16xi32>
        }
        %scan3A_93 = arith.constant 128 : i32
        %slice3A_94 = vector.extract_strided_slice %scan3A_92 {offsets = [0], sizes = [1], strides = [1]} : vector<16xi32> to vector<1xi32>
        %squeeze3A_95 = vector.extract %slice3A_94[0] : i32 from vector<1xi32>
        %slice3A_96 = vector.extract_strided_slice %scan3A_92 {offsets = [1], sizes = [1], strides = [1]} : vector<16xi32> to vector<1xi32>
        %squeeze3A_97 = vector.extract %slice3A_96[0] : i32 from vector<1xi32>
        %add3A_98 = arith.addi %squeeze3A_95, %squeeze3A_97 : i32
        %slice3A_99 = vector.extract_strided_slice %scan3A_92 {offsets = [2], sizes = [1], strides = [1]} : vector<16xi32> to vector<1xi32>
        %squeeze3A_100 = vector.extract %slice3A_99[0] : i32 from vector<1xi32>
        %add3A_101 = arith.addi %add3A_98, %squeeze3A_100 : i32
        %slice3A_102 = vector.extract_strided_slice %scan3A_92 {offsets = [3], sizes = [1], strides = [1]} : vector<16xi32> to vector<1xi32>
        %squeeze3A_103 = vector.extract %slice3A_102[0] : i32 from vector<1xi32>
        %add3A_104 = arith.addi %add3A_101, %squeeze3A_103 : i32
        %slice3A_105 = vector.extract_strided_slice %scan3A_92 {offsets = [4], sizes = [1], strides = [1]} : vector<16xi32> to vector<1xi32>
        %squeeze3A_106 = vector.extract %slice3A_105[0] : i32 from vector<1xi32>
        %add3A_107 = arith.addi %add3A_104, %squeeze3A_106 : i32
        %slice3A_108 = vector.extract_strided_slice %scan3A_92 {offsets = [5], sizes = [1], strides = [1]} : vector<16xi32> to vector<1xi32>
        %squeeze3A_109 = vector.extract %slice3A_108[0] : i32 from vector<1xi32>
        %add3A_110 = arith.addi %add3A_107, %squeeze3A_109 : i32
        %slice3A_111 = vector.extract_strided_slice %scan3A_92 {offsets = [6], sizes = [1], strides = [1]} : vector<16xi32> to vector<1xi32>
        %squeeze3A_112 = vector.extract %slice3A_111[0] : i32 from vector<1xi32>
        %add3A_113 = arith.addi %add3A_110, %squeeze3A_112 : i32
        %slice3A_114 = vector.extract_strided_slice %scan3A_92 {offsets = [7], sizes = [1], strides = [1]} : vector<16xi32> to vector<1xi32>
        %squeeze3A_115 = vector.extract %slice3A_114[0] : i32 from vector<1xi32>
        %add3A_116 = arith.addi %add3A_113, %squeeze3A_115 : i32
        %slice3A_117 = vector.extract_strided_slice %scan3A_92 {offsets = [8], sizes = [1], strides = [1]} : vector<16xi32> to vector<1xi32>
        %squeeze3A_118 = vector.extract %slice3A_117[0] : i32 from vector<1xi32>
        %add3A_119 = arith.addi %add3A_116, %squeeze3A_118 : i32
        %slice3A_120 = vector.extract_strided_slice %scan3A_92 {offsets = [9], sizes = [1], strides = [1]} : vector<16xi32> to vector<1xi32>
        %squeeze3A_121 = vector.extract %slice3A_120[0] : i32 from vector<1xi32>
        %add3A_122 = arith.addi %add3A_119, %squeeze3A_121 : i32
        %slice3A_123 = vector.extract_strided_slice %scan3A_92 {offsets = [10], sizes = [1], strides = [1]} : vector<16xi32> to vector<1xi32>
        %squeeze3A_124 = vector.extract %slice3A_123[0] : i32 from vector<1xi32>
        %add3A_125 = arith.addi %add3A_122, %squeeze3A_124 : i32
        %slice3A_126 = vector.extract_strided_slice %scan3A_92 {offsets = [11], sizes = [1], strides = [1]} : vector<16xi32> to vector<1xi32>
        %squeeze3A_127 = vector.extract %slice3A_126[0] : i32 from vector<1xi32>
        %add3A_128 = arith.addi %add3A_125, %squeeze3A_127 : i32
        %slice3A_129 = vector.extract_strided_slice %scan3A_92 {offsets = [12], sizes = [1], strides = [1]} : vector<16xi32> to vector<1xi32>
        %squeeze3A_130 = vector.extract %slice3A_129[0] : i32 from vector<1xi32>
        %add3A_131 = arith.addi %add3A_128, %squeeze3A_130 : i32
        %slice3A_132 = vector.extract_strided_slice %scan3A_92 {offsets = [13], sizes = [1], strides = [1]} : vector<16xi32> to vector<1xi32>
        %squeeze3A_133 = vector.extract %slice3A_132[0] : i32 from vector<1xi32>
        %add3A_134 = arith.addi %add3A_131, %squeeze3A_133 : i32
        %slice3A_135 = vector.extract_strided_slice %scan3A_92 {offsets = [14], sizes = [1], strides = [1]} : vector<16xi32> to vector<1xi32>
        %squeeze3A_136 = vector.extract %slice3A_135[0] : i32 from vector<1xi32>
        %add3A_137 = arith.addi %add3A_134, %squeeze3A_136 : i32
        %slice3A_138 = vector.extract_strided_slice %scan3A_92 {offsets = [15], sizes = [1], strides = [1]} : vector<16xi32> to vector<1xi32>
        %squeeze3A_139 = vector.extract %slice3A_138[0] : i32 from vector<1xi32>
        %add3A_140 = arith.addi %add3A_137, %squeeze3A_139 : i32
        %ge3A = arith.constant 256 : i32
        %ge3A_141 = arith.cmpi sge, %add3A_140, %ge3A : i32
        %select_n3A = arith.select %ge3A_141, %or3A, %scan3A_81 : i32
        scf.yield %select_n3A : i32
      }
      %scan3A_17 = arith.constant 32 : i32
      %xor3A = arith.constant -2147483648 : i32
      %xor3A_18 = arith.xori %scan3A_16, %xor3A : i32
      %broadcast_in_dim3A_19 = vector.broadcast %xor3A_18 : i32 to vector<16xi32>
      %scan3A_20 = arith.constant false
      %scan3A_21 = arith.constant 0 : i32
      %scan3A_22 = arith.constant 128 : i32
      %scan3A_23 = arith.addi %scan3A_21, %scan3A_22 : i32
      %scan3A_24 = arith.constant 1 : i32
      %scan3A_25 = scf.for %scan3A_80 = %scan3A_21 to %scan3A_23 step %scan3A_24 iter_args(%scan3A_81 = %broadcast_in_dim3A_5) -> (vector<16xi32>)  : i32 {
        %mul3A_82 = arith.constant 16 : i32
        %mul3A_83 = arith.muli %scan3A_80, %mul3A_82 : i32
        %get3A = arith.index_cast %mul3A_83 : i32 to index
        %get3A_84 = tpu.vector_load %arg5[%get3A] {strides = array<i32>} : memref<2048xi32, #tpu.memory_space<vmem>>, vector<16xi32>,
        %get3A_85 = vector.shape_cast %get3A_84 : vector<16xi32> to vector<16xi32>
        %gt3A = arith.cmpi sgt, %get3A_85, %broadcast_in_dim3A_19 : vector<16xi32>
        %ge3A = arith.cmpi sge, %get3A_85, %broadcast_in_dim3A_19 : vector<16xi32>
        %select_n3A = arith.select %scan3A_20, %gt3A, %ge3A : vector<16xi1>
        %select_n3A_86 = arith.select %select_n3A, %broadcast_in_dim3A_3, %broadcast_in_dim3A_5 : vector<16xi1>, vector<16xi32>
        %add3A_87 = arith.addi %scan3A_81, %select_n3A_86 : vector<16xi32>
        scf.yield %add3A_87 : vector<16xi32>
      }
      %scan3A_26 = arith.constant 128 : i32
      %slice3A = vector.extract_strided_slice %scan3A_25 {offsets = [0], sizes = [1], strides = [1]} : vector<16xi32> to vector<1xi32>
      %squeeze3A = vector.extract %slice3A[0] : i32 from vector<1xi32>
      %slice3A_27 = vector.extract_strided_slice %scan3A_25 {offsets = [1], sizes = [1], strides = [1]} : vector<16xi32> to vector<1xi32>
      %squeeze3A_28 = vector.extract %slice3A_27[0] : i32 from vector<1xi32>
      %add3A_29 = arith.addi %squeeze3A, %squeeze3A_28 : i32
      %slice3A_30 = vector.extract_strided_slice %scan3A_25 {offsets = [2], sizes = [1], strides = [1]} : vector<16xi32> to vector<1xi32>
      %squeeze3A_31 = vector.extract %slice3A_30[0] : i32 from vector<1xi32>
      %add3A_32 = arith.addi %add3A_29, %squeeze3A_31 : i32
      %slice3A_33 = vector.extract_strided_slice %scan3A_25 {offsets = [3], sizes = [1], strides = [1]} : vector<16xi32> to vector<1xi32>
      %squeeze3A_34 = vector.extract %slice3A_33[0] : i32 from vector<1xi32>
      %add3A_35 = arith.addi %add3A_32, %squeeze3A_34 : i32
      %slice3A_36 = vector.extract_strided_slice %scan3A_25 {offsets = [4], sizes = [1], strides = [1]} : vector<16xi32> to vector<1xi32>
      %squeeze3A_37 = vector.extract %slice3A_36[0] : i32 from vector<1xi32>
      %add3A_38 = arith.addi %add3A_35, %squeeze3A_37 : i32
      %slice3A_39 = vector.extract_strided_slice %scan3A_25 {offsets = [5], sizes = [1], strides = [1]} : vector<16xi32> to vector<1xi32>
      %squeeze3A_40 = vector.extract %slice3A_39[0] : i32 from vector<1xi32>
      %add3A_41 = arith.addi %add3A_38, %squeeze3A_40 : i32
      %slice3A_42 = vector.extract_strided_slice %scan3A_25 {offsets = [6], sizes = [1], strides = [1]} : vector<16xi32> to vector<1xi32>
      %squeeze3A_43 = vector.extract %slice3A_42[0] : i32 from vector<1xi32>
      %add3A_44 = arith.addi %add3A_41, %squeeze3A_43 : i32
      %slice3A_45 = vector.extract_strided_slice %scan3A_25 {offsets = [7], sizes = [1], strides = [1]} : vector<16xi32> to vector<1xi32>
      %squeeze3A_46 = vector.extract %slice3A_45[0] : i32 from vector<1xi32>
      %add3A_47 = arith.addi %add3A_44, %squeeze3A_46 : i32
      %slice3A_48 = vector.extract_strided_slice %scan3A_25 {offsets = [8], sizes = [1], strides = [1]} : vector<16xi32> to vector<1xi32>
      %squeeze3A_49 = vector.extract %slice3A_48[0] : i32 from vector<1xi32>
      %add3A_50 = arith.addi %add3A_47, %squeeze3A_49 : i32
      %slice3A_51 = vector.extract_strided_slice %scan3A_25 {offsets = [9], sizes = [1], strides = [1]} : vector<16xi32> to vector<1xi32>
      %squeeze3A_52 = vector.extract %slice3A_51[0] : i32 from vector<1xi32>
      %add3A_53 = arith.addi %add3A_50, %squeeze3A_52 : i32
      %slice3A_54 = vector.extract_strided_slice %scan3A_25 {offsets = [10], sizes = [1], strides = [1]} : vector<16xi32> to vector<1xi32>
      %squeeze3A_55 = vector.extract %slice3A_54[0] : i32 from vector<1xi32>
      %add3A_56 = arith.addi %add3A_53, %squeeze3A_55 : i32
      %slice3A_57 = vector.extract_strided_slice %scan3A_25 {offsets = [11], sizes = [1], strides = [1]} : vector<16xi32> to vector<1xi32>
      %squeeze3A_58 = vector.extract %slice3A_57[0] : i32 from vector<1xi32>
      %add3A_59 = arith.addi %add3A_56, %squeeze3A_58 : i32
      %slice3A_60 = vector.extract_strided_slice %scan3A_25 {offsets = [12], sizes = [1], strides = [1]} : vector<16xi32> to vector<1xi32>
      %squeeze3A_61 = vector.extract %slice3A_60[0] : i32 from vector<1xi32>
      %add3A_62 = arith.addi %add3A_59, %squeeze3A_61 : i32
      %slice3A_63 = vector.extract_strided_slice %scan3A_25 {offsets = [13], sizes = [1], strides = [1]} : vector<16xi32> to vector<1xi32>
      %squeeze3A_64 = vector.extract %slice3A_63[0] : i32 from vector<1xi32>
      %add3A_65 = arith.addi %add3A_62, %squeeze3A_64 : i32
      %slice3A_66 = vector.extract_strided_slice %scan3A_25 {offsets = [14], sizes = [1], strides = [1]} : vector<16xi32> to vector<1xi32>
      %squeeze3A_67 = vector.extract %slice3A_66[0] : i32 from vector<1xi32>
      %add3A_68 = arith.addi %add3A_65, %squeeze3A_67 : i32
      %slice3A_69 = vector.extract_strided_slice %scan3A_25 {offsets = [15], sizes = [1], strides = [1]} : vector<16xi32> to vector<1xi32>
      %squeeze3A_70 = vector.extract %slice3A_69[0] : i32 from vector<1xi32>
      %add3A_71 = arith.addi %add3A_68, %squeeze3A_70 : i32
      %eq3A = arith.constant 256 : i32
      %eq3A_72 = arith.cmpi eq, %add3A_71, %eq3A : i32
      %convert_element_type3A_73 = arith.extui %eq3A_72 : i1 to i32
      %cond3A_74 = arith.constant 0 : i32
      %cond3A_75 = arith.cmpi ne, %convert_element_type3A_73, %cond3A_74 : i32
      scf.if %cond3A_75 {
        %scan3A_80 = arith.constant 0 : i32
        %scan3A_81 = arith.constant 0 : i32
        %scan3A_82 = arith.constant 128 : i32
        %scan3A_83 = arith.addi %scan3A_81, %scan3A_82 : i32
        %scan3A_84 = arith.constant 1 : i32
        scf.for %scan3A_86 = %scan3A_81 to %scan3A_83 step %scan3A_84  : i32 {
          %mul3A_87 = arith.constant 16 : i32
          %mul3A_88 = arith.muli %scan3A_86, %mul3A_87 : i32
          %get3A = arith.index_cast %mul3A_88 : i32 to index
          %get3A_89 = tpu.vector_load %arg5[%get3A] {strides = array<i32>} : memref<2048xi32, #tpu.memory_space<vmem>>, vector<16xi32>,
          %get3A_90 = vector.shape_cast %get3A_89 : vector<16xi32> to vector<16xi32>
          %ge3A = arith.cmpi sge, %get3A_90, %broadcast_in_dim3A_19 : vector<16xi32>
          %jit3A = arith.constant 1.000000e+00 : f32
          %jit3A_91 = arith.constant 0.000000e+00 : f32
          %broadcast_in_dim3A_92 = vector.broadcast %jit3A : f32 to vector<16xf32>
          %broadcast_in_dim3A_93 = vector.broadcast %jit3A_91 : f32 to vector<16xf32>
          %select_n3A = arith.select %ge3A, %broadcast_in_dim3A_92, %broadcast_in_dim3A_93 : vector<16xi1>, vector<16xf32>
          %mul3A_94 = arith.constant 16 : i32
          %mul3A_95 = arith.muli %scan3A_86, %mul3A_94 : i32
          %swap3A = arith.index_cast %mul3A_95 : i32 to index
          %swap3A_96 = tpu.vector_load %arg6[%swap3A] {strides = array<i32>} : memref<2048xf32, #tpu.memory_space<vmem>>, vector<16xf32>,
          %swap3A_97 = vector.shape_cast %swap3A_96 : vector<16xf32> to vector<16xf32>
          %swap3A_98 = vector.shape_cast %select_n3A : vector<16xf32> to vector<16xf32>
          tpu.vector_store %arg6[%swap3A], %swap3A_98 {strides = array<i32>} : memref<2048xf32, #tpu.memory_space<vmem>>, vector<16xf32>,
        }
        %scan3A_85 = arith.constant 128 : i32
      } else {
      }
      %ne3A = arith.constant 256 : i32
      %ne3A_76 = arith.cmpi ne, %add3A_71, %ne3A : i32
      %convert_element_type3A_77 = arith.extui %ne3A_76 : i1 to i32
      %cond3A_78 = arith.constant 0 : i32
      %cond3A_79 = arith.cmpi ne, %convert_element_type3A_77, %cond3A_78 : i32
      scf.if %cond3A_79 {
        %scan3A_80 = arith.constant true
        %scan3A_81 = arith.constant 0 : i32
        %scan3A_82 = arith.constant 128 : i32
        %scan3A_83 = arith.addi %scan3A_81, %scan3A_82 : i32
        %scan3A_84 = arith.constant 1 : i32
        %scan3A_85 = scf.for %scan3A_150 = %scan3A_81 to %scan3A_83 step %scan3A_84 iter_args(%scan3A_151 = %broadcast_in_dim3A_5) -> (vector<16xi32>)  : i32 {
          %mul3A_152 = arith.constant 16 : i32
          %mul3A_153 = arith.muli %scan3A_150, %mul3A_152 : i32
          %get3A = arith.index_cast %mul3A_153 : i32 to index
          %get3A_154 = tpu.vector_load %arg5[%get3A] {strides = array<i32>} : memref<2048xi32, #tpu.memory_space<vmem>>, vector<16xi32>,
          %get3A_155 = vector.shape_cast %get3A_154 : vector<16xi32> to vector<16xi32>
          %gt3A = arith.cmpi sgt, %get3A_155, %broadcast_in_dim3A_19 : vector<16xi32>
          %ge3A = arith.cmpi sge, %get3A_155, %broadcast_in_dim3A_19 : vector<16xi32>
          %select_n3A = arith.select %scan3A_80, %gt3A, %ge3A : vector<16xi1>
          %select_n3A_156 = arith.select %select_n3A, %broadcast_in_dim3A_3, %broadcast_in_dim3A_5 : vector<16xi1>, vector<16xi32>
          %add3A_157 = arith.addi %scan3A_151, %select_n3A_156 : vector<16xi32>
          scf.yield %add3A_157 : vector<16xi32>
        }
        %scan3A_86 = arith.constant 128 : i32
        %slice3A_87 = vector.extract_strided_slice %scan3A_85 {offsets = [0], sizes = [1], strides = [1]} : vector<16xi32> to vector<1xi32>
        %squeeze3A_88 = vector.extract %slice3A_87[0] : i32 from vector<1xi32>
        %slice3A_89 = vector.extract_strided_slice %scan3A_85 {offsets = [1], sizes = [1], strides = [1]} : vector<16xi32> to vector<1xi32>
        %squeeze3A_90 = vector.extract %slice3A_89[0] : i32 from vector<1xi32>
        %add3A_91 = arith.addi %squeeze3A_88, %squeeze3A_90 : i32
        %slice3A_92 = vector.extract_strided_slice %scan3A_85 {offsets = [2], sizes = [1], strides = [1]} : vector<16xi32> to vector<1xi32>
        %squeeze3A_93 = vector.extract %slice3A_92[0] : i32 from vector<1xi32>
        %add3A_94 = arith.addi %add3A_91, %squeeze3A_93 : i32
        %slice3A_95 = vector.extract_strided_slice %scan3A_85 {offsets = [3], sizes = [1], strides = [1]} : vector<16xi32> to vector<1xi32>
        %squeeze3A_96 = vector.extract %slice3A_95[0] : i32 from vector<1xi32>
        %add3A_97 = arith.addi %add3A_94, %squeeze3A_96 : i32
        %slice3A_98 = vector.extract_strided_slice %scan3A_85 {offsets = [4], sizes = [1], strides = [1]} : vector<16xi32> to vector<1xi32>
        %squeeze3A_99 = vector.extract %slice3A_98[0] : i32 from vector<1xi32>
        %add3A_100 = arith.addi %add3A_97, %squeeze3A_99 : i32
        %slice3A_101 = vector.extract_strided_slice %scan3A_85 {offsets = [5], sizes = [1], strides = [1]} : vector<16xi32> to vector<1xi32>
        %squeeze3A_102 = vector.extract %slice3A_101[0] : i32 from vector<1xi32>
        %add3A_103 = arith.addi %add3A_100, %squeeze3A_102 : i32
        %slice3A_104 = vector.extract_strided_slice %scan3A_85 {offsets = [6], sizes = [1], strides = [1]} : vector<16xi32> to vector<1xi32>
        %squeeze3A_105 = vector.extract %slice3A_104[0] : i32 from vector<1xi32>
        %add3A_106 = arith.addi %add3A_103, %squeeze3A_105 : i32
        %slice3A_107 = vector.extract_strided_slice %scan3A_85 {offsets = [7], sizes = [1], strides = [1]} : vector<16xi32> to vector<1xi32>
        %squeeze3A_108 = vector.extract %slice3A_107[0] : i32 from vector<1xi32>
        %add3A_109 = arith.addi %add3A_106, %squeeze3A_108 : i32
        %slice3A_110 = vector.extract_strided_slice %scan3A_85 {offsets = [8], sizes = [1], strides = [1]} : vector<16xi32> to vector<1xi32>
        %squeeze3A_111 = vector.extract %slice3A_110[0] : i32 from vector<1xi32>
        %add3A_112 = arith.addi %add3A_109, %squeeze3A_111 : i32
        %slice3A_113 = vector.extract_strided_slice %scan3A_85 {offsets = [9], sizes = [1], strides = [1]} : vector<16xi32> to vector<1xi32>
        %squeeze3A_114 = vector.extract %slice3A_113[0] : i32 from vector<1xi32>
        %add3A_115 = arith.addi %add3A_112, %squeeze3A_114 : i32
        %slice3A_116 = vector.extract_strided_slice %scan3A_85 {offsets = [10], sizes = [1], strides = [1]} : vector<16xi32> to vector<1xi32>
        %squeeze3A_117 = vector.extract %slice3A_116[0] : i32 from vector<1xi32>
        %add3A_118 = arith.addi %add3A_115, %squeeze3A_117 : i32
        %slice3A_119 = vector.extract_strided_slice %scan3A_85 {offsets = [11], sizes = [1], strides = [1]} : vector<16xi32> to vector<1xi32>
        %squeeze3A_120 = vector.extract %slice3A_119[0] : i32 from vector<1xi32>
        %add3A_121 = arith.addi %add3A_118, %squeeze3A_120 : i32
        %slice3A_122 = vector.extract_strided_slice %scan3A_85 {offsets = [12], sizes = [1], strides = [1]} : vector<16xi32> to vector<1xi32>
        %squeeze3A_123 = vector.extract %slice3A_122[0] : i32 from vector<1xi32>
        %add3A_124 = arith.addi %add3A_121, %squeeze3A_123 : i32
        %slice3A_125 = vector.extract_strided_slice %scan3A_85 {offsets = [13], sizes = [1], strides = [1]} : vector<16xi32> to vector<1xi32>
        %squeeze3A_126 = vector.extract %slice3A_125[0] : i32 from vector<1xi32>
        %add3A_127 = arith.addi %add3A_124, %squeeze3A_126 : i32
        %slice3A_128 = vector.extract_strided_slice %scan3A_85 {offsets = [14], sizes = [1], strides = [1]} : vector<16xi32> to vector<1xi32>
        %squeeze3A_129 = vector.extract %slice3A_128[0] : i32 from vector<1xi32>
        %add3A_130 = arith.addi %add3A_127, %squeeze3A_129 : i32
        %slice3A_131 = vector.extract_strided_slice %scan3A_85 {offsets = [15], sizes = [1], strides = [1]} : vector<16xi32> to vector<1xi32>
        %squeeze3A_132 = vector.extract %slice3A_131[0] : i32 from vector<1xi32>
        %add3A_133 = arith.addi %add3A_130, %squeeze3A_132 : i32
        %sub3A = arith.constant 256 : i32
        %sub3A_134 = arith.subi %sub3A, %add3A_133 : i32
        %scan3A_135 = arith.constant 0 : i32
        %scan3A_136 = arith.constant 2047 : i32
        %scan3A_137 = arith.constant 0 : i32
        %scan3A_138 = arith.constant 11 : i32
        %scan3A_139 = arith.addi %scan3A_137, %scan3A_138 : i32
        %scan3A_140 = arith.constant 1 : i32
        %scan3A_141:2 = scf.for %scan3A_150 = %scan3A_137 to %scan3A_139 step %scan3A_140 iter_args(%scan3A_151 = %scan3A_135, %scan3A_152 = %scan3A_136) -> (i32, i32)  : i32 {
          %add3A_153 = arith.addi %scan3A_151, %scan3A_152 : i32
          %jit3A = arith.constant 2 : i32
          %div3A = arith.divsi %add3A_153, %jit3A : i32
          %sign3A = arith.constant 0 : i32
          %sign3A_154 = arith.cmpi sgt, %add3A_153, %sign3A : i32
          %sign3A_155 = arith.extui %sign3A_154 : i1 to i32
          %sign3A_156 = arith.constant 0 : i32
          %sign3A_157 = arith.cmpi slt, %add3A_153, %sign3A_156 : i32
          %sign3A_158 = arith.extui %sign3A_157 : i1 to i32
          %sign3A_159 = arith.subi %sign3A_155, %sign3A_158 : i32
          %sign3A_160 = arith.constant 0 : i32
          %sign3A_161 = arith.cmpi sgt, %jit3A, %sign3A_160 : i32
          %sign3A_162 = arith.extui %sign3A_161 : i1 to i32
          %sign3A_163 = arith.constant 0 : i32
          %sign3A_164 = arith.cmpi slt, %jit3A, %sign3A_163 : i32
          %sign3A_165 = arith.extui %sign3A_164 : i1 to i32
          %sign3A_166 = arith.subi %sign3A_162, %sign3A_165 : i32
          %ne3A_167 = arith.cmpi ne, %sign3A_159, %sign3A_166 : i32
          %rem3A = arith.remsi %add3A_153, %jit3A : i32
          %ne3A_168 = arith.constant 0 : i32
          %ne3A_169 = arith.cmpi ne, %rem3A, %ne3A_168 : i32
          %and3A = arith.andi %ne3A_167, %ne3A_169 : i1
          %sub3A_170 = arith.constant 1 : i32
          %sub3A_171 = arith.subi %div3A, %sub3A_170 : i32
          %select_n3A = arith.select %and3A, %sub3A_171, %div3A : i32
          %broadcast_in_dim3A_172 = vector.broadcast %select_n3A : i32 to vector<16xi32>
          %scan3A_173 = arith.constant 0 : i32
          %scan3A_174 = arith.constant 128 : i32
          %scan3A_175 = arith.addi %scan3A_173, %scan3A_174 : i32
          %scan3A_176 = arith.constant 1 : i32
          %scan3A_177 = scf.for %scan3A_230 = %scan3A_173 to %scan3A_175 step %scan3A_176 iter_args(%scan3A_231 = %broadcast_in_dim3A_5) -> (vector<16xi32>)  : i32 {
            %mul3A_232 = arith.constant 16 : i32
            %mul3A_233 = arith.muli %scan3A_230, %mul3A_232 : i32
            %get3A = arith.index_cast %mul3A_233 : i32 to index
            %get3A_234 = tpu.vector_load %arg5[%get3A] {strides = array<i32>} : memref<2048xi32, #tpu.memory_space<vmem>>, vector<16xi32>,
            %get3A_235 = vector.shape_cast %get3A_234 : vector<16xi32> to vector<16xi32>
            %iota3A = tpu.iota {dimensions = array<i32: 0>} : vector<16xi32>
            %mul3A_236 = arith.constant 16 : i32
            %mul3A_237 = arith.muli %scan3A_230, %mul3A_236 : i32
            %broadcast_in_dim3A_238 = vector.broadcast %mul3A_237 : i32 to vector<16xi32>
            %add3A_239 = arith.addi %iota3A, %broadcast_in_dim3A_238 : vector<16xi32>
            %eq3A_240 = arith.cmpi eq, %get3A_235, %broadcast_in_dim3A_19 : vector<16xi32>
            %le3A = arith.cmpi sle, %add3A_239, %broadcast_in_dim3A_172 : vector<16xi32>
            %and3A_241 = arith.andi %eq3A_240, %le3A : vector<16xi1>
            %select_n3A_242 = arith.select %and3A_241, %broadcast_in_dim3A_3, %broadcast_in_dim3A_5 : vector<16xi1>, vector<16xi32>
            %add3A_243 = arith.addi %scan3A_231, %select_n3A_242 : vector<16xi32>
            scf.yield %add3A_243 : vector<16xi32>
          }
          %scan3A_178 = arith.constant 128 : i32
          %slice3A_179 = vector.extract_strided_slice %scan3A_177 {offsets = [0], sizes = [1], strides = [1]} : vector<16xi32> to vector<1xi32>
          %squeeze3A_180 = vector.extract %slice3A_179[0] : i32 from vector<1xi32>
          %slice3A_181 = vector.extract_strided_slice %scan3A_177 {offsets = [1], sizes = [1], strides = [1]} : vector<16xi32> to vector<1xi32>
          %squeeze3A_182 = vector.extract %slice3A_181[0] : i32 from vector<1xi32>
          %add3A_183 = arith.addi %squeeze3A_180, %squeeze3A_182 : i32
          %slice3A_184 = vector.extract_strided_slice %scan3A_177 {offsets = [2], sizes = [1], strides = [1]} : vector<16xi32> to vector<1xi32>
          %squeeze3A_185 = vector.extract %slice3A_184[0] : i32 from vector<1xi32>
          %add3A_186 = arith.addi %add3A_183, %squeeze3A_185 : i32
          %slice3A_187 = vector.extract_strided_slice %scan3A_177 {offsets = [3], sizes = [1], strides = [1]} : vector<16xi32> to vector<1xi32>
          %squeeze3A_188 = vector.extract %slice3A_187[0] : i32 from vector<1xi32>
          %add3A_189 = arith.addi %add3A_186, %squeeze3A_188 : i32
          %slice3A_190 = vector.extract_strided_slice %scan3A_177 {offsets = [4], sizes = [1], strides = [1]} : vector<16xi32> to vector<1xi32>
          %squeeze3A_191 = vector.extract %slice3A_190[0] : i32 from vector<1xi32>
          %add3A_192 = arith.addi %add3A_189, %squeeze3A_191 : i32
          %slice3A_193 = vector.extract_strided_slice %scan3A_177 {offsets = [5], sizes = [1], strides = [1]} : vector<16xi32> to vector<1xi32>
          %squeeze3A_194 = vector.extract %slice3A_193[0] : i32 from vector<1xi32>
          %add3A_195 = arith.addi %add3A_192, %squeeze3A_194 : i32
          %slice3A_196 = vector.extract_strided_slice %scan3A_177 {offsets = [6], sizes = [1], strides = [1]} : vector<16xi32> to vector<1xi32>
          %squeeze3A_197 = vector.extract %slice3A_196[0] : i32 from vector<1xi32>
          %add3A_198 = arith.addi %add3A_195, %squeeze3A_197 : i32
          %slice3A_199 = vector.extract_strided_slice %scan3A_177 {offsets = [7], sizes = [1], strides = [1]} : vector<16xi32> to vector<1xi32>
          %squeeze3A_200 = vector.extract %slice3A_199[0] : i32 from vector<1xi32>
          %add3A_201 = arith.addi %add3A_198, %squeeze3A_200 : i32
          %slice3A_202 = vector.extract_strided_slice %scan3A_177 {offsets = [8], sizes = [1], strides = [1]} : vector<16xi32> to vector<1xi32>
          %squeeze3A_203 = vector.extract %slice3A_202[0] : i32 from vector<1xi32>
          %add3A_204 = arith.addi %add3A_201, %squeeze3A_203 : i32
          %slice3A_205 = vector.extract_strided_slice %scan3A_177 {offsets = [9], sizes = [1], strides = [1]} : vector<16xi32> to vector<1xi32>
          %squeeze3A_206 = vector.extract %slice3A_205[0] : i32 from vector<1xi32>
          %add3A_207 = arith.addi %add3A_204, %squeeze3A_206 : i32
          %slice3A_208 = vector.extract_strided_slice %scan3A_177 {offsets = [10], sizes = [1], strides = [1]} : vector<16xi32> to vector<1xi32>
          %squeeze3A_209 = vector.extract %slice3A_208[0] : i32 from vector<1xi32>
          %add3A_210 = arith.addi %add3A_207, %squeeze3A_209 : i32
          %slice3A_211 = vector.extract_strided_slice %scan3A_177 {offsets = [11], sizes = [1], strides = [1]} : vector<16xi32> to vector<1xi32>
          %squeeze3A_212 = vector.extract %slice3A_211[0] : i32 from vector<1xi32>
          %add3A_213 = arith.addi %add3A_210, %squeeze3A_212 : i32
          %slice3A_214 = vector.extract_strided_slice %scan3A_177 {offsets = [12], sizes = [1], strides = [1]} : vector<16xi32> to vector<1xi32>
          %squeeze3A_215 = vector.extract %slice3A_214[0] : i32 from vector<1xi32>
          %add3A_216 = arith.addi %add3A_213, %squeeze3A_215 : i32
          %slice3A_217 = vector.extract_strided_slice %scan3A_177 {offsets = [13], sizes = [1], strides = [1]} : vector<16xi32> to vector<1xi32>
          %squeeze3A_218 = vector.extract %slice3A_217[0] : i32 from vector<1xi32>
          %add3A_219 = arith.addi %add3A_216, %squeeze3A_218 : i32
          %slice3A_220 = vector.extract_strided_slice %scan3A_177 {offsets = [14], sizes = [1], strides = [1]} : vector<16xi32> to vector<1xi32>
          %squeeze3A_221 = vector.extract %slice3A_220[0] : i32 from vector<1xi32>
          %add3A_222 = arith.addi %add3A_219, %squeeze3A_221 : i32
          %slice3A_223 = vector.extract_strided_slice %scan3A_177 {offsets = [15], sizes = [1], strides = [1]} : vector<16xi32> to vector<1xi32>
          %squeeze3A_224 = vector.extract %slice3A_223[0] : i32 from vector<1xi32>
          %add3A_225 = arith.addi %add3A_222, %squeeze3A_224 : i32
          %ge3A = arith.cmpi sge, %add3A_225, %sub3A_134 : i32
          %add3A_226 = arith.constant 1 : i32
          %add3A_227 = arith.addi %select_n3A, %add3A_226 : i32
          %select_n3A_228 = arith.select %ge3A, %scan3A_151, %add3A_227 : i32
          %select_n3A_229 = arith.select %ge3A, %select_n3A, %scan3A_152 : i32
          scf.yield %select_n3A_228, %select_n3A_229 : i32, i32
        }
        %scan3A_142 = arith.constant 11 : i32
        %broadcast_in_dim3A_143 = vector.broadcast %scan3A_141#0 : i32 to vector<16xi32>
        %scan3A_144 = arith.constant 0 : i32
        %scan3A_145 = arith.constant 0 : i32
        %scan3A_146 = arith.constant 128 : i32
        %scan3A_147 = arith.addi %scan3A_145, %scan3A_146 : i32
        %scan3A_148 = arith.constant 1 : i32
        scf.for %scan3A_150 = %scan3A_145 to %scan3A_147 step %scan3A_148  : i32 {
          %mul3A_151 = arith.constant 16 : i32
          %mul3A_152 = arith.muli %scan3A_150, %mul3A_151 : i32
          %get3A = arith.index_cast %mul3A_152 : i32 to index
          %get3A_153 = tpu.vector_load %arg5[%get3A] {strides = array<i32>} : memref<2048xi32, #tpu.memory_space<vmem>>, vector<16xi32>,
          %get3A_154 = vector.shape_cast %get3A_153 : vector<16xi32> to vector<16xi32>
          %iota3A = tpu.iota {dimensions = array<i32: 0>} : vector<16xi32>
          %mul3A_155 = arith.constant 16 : i32
          %mul3A_156 = arith.muli %scan3A_150, %mul3A_155 : i32
          %broadcast_in_dim3A_157 = vector.broadcast %mul3A_156 : i32 to vector<16xi32>
          %add3A_158 = arith.addi %iota3A, %broadcast_in_dim3A_157 : vector<16xi32>
          %gt3A = arith.cmpi sgt, %get3A_154, %broadcast_in_dim3A_19 : vector<16xi32>
          %eq3A_159 = arith.cmpi eq, %get3A_154, %broadcast_in_dim3A_19 : vector<16xi32>
          %le3A = arith.cmpi sle, %add3A_158, %broadcast_in_dim3A_143 : vector<16xi32>
          %and3A = arith.andi %eq3A_159, %le3A : vector<16xi1>
          %or3A = arith.ori %gt3A, %and3A : vector<16xi1>
          %jit3A = arith.constant 1.000000e+00 : f32
          %jit3A_160 = arith.constant 0.000000e+00 : f32
          %broadcast_in_dim3A_161 = vector.broadcast %jit3A : f32 to vector<16xf32>
          %broadcast_in_dim3A_162 = vector.broadcast %jit3A_160 : f32 to vector<16xf32>
          %select_n3A = arith.select %or3A, %broadcast_in_dim3A_161, %broadcast_in_dim3A_162 : vector<16xi1>, vector<16xf32>
          %mul3A_163 = arith.constant 16 : i32
          %mul3A_164 = arith.muli %scan3A_150, %mul3A_163 : i32
          %swap3A = arith.index_cast %mul3A_164 : i32 to index
          %swap3A_165 = tpu.vector_load %arg6[%swap3A] {strides = array<i32>} : memref<2048xf32, #tpu.memory_space<vmem>>, vector<16xf32>,
          %swap3A_166 = vector.shape_cast %swap3A_165 : vector<16xf32> to vector<16xf32>
          %swap3A_167 = vector.shape_cast %select_n3A : vector<16xf32> to vector<16xf32>
          tpu.vector_store %arg6[%swap3A], %swap3A_167 {strides = array<i32>} : memref<2048xf32, #tpu.memory_space<vmem>>, vector<16xf32>,
        }
        %scan3A_149 = arith.constant 128 : i32
      } else {
      }
      "tpu.region"() ({
        %run_scoped3A = tpu.sem_alloc : memref<!tpu.dma_semaphore, #tpu.memory_space<semaphore_mem>>
        %dma_start3A = arith.constant 0 : i32
        %dma_start3A_80 = tpu.memref_slice %arg3[%add3A, %dma_start3A] : memref<8x2048xf32, #tpu.memory_space<hbm>> -> memref<1x2048xf32, #tpu.memory_space<hbm>>
        %dma_start3A_81 = tpu.memref_squeeze %dma_start3A_80 : memref<1x2048xf32, #tpu.memory_space<hbm>> -> memref<2048xf32, #tpu.memory_space<hbm>>
        %dma_start3A_82 = arith.constant 0 : i32
        %dma_start3A_83 = tpu.memref_slice %arg3[%add3A, %dma_start3A_82] : memref<8x2048xf32, #tpu.memory_space<hbm>> -> memref<1x2048xf32, #tpu.memory_space<hbm>>
        %dma_start3A_84 = tpu.memref_squeeze %dma_start3A_83 : memref<1x2048xf32, #tpu.memory_space<hbm>> -> memref<2048xf32, #tpu.memory_space<hbm>>
        tpu.enqueue_dma source(%arg6 : memref<2048xf32, #tpu.memory_space<vmem>>) target(%dma_start3A_84 : memref<2048xf32, #tpu.memory_space<hbm>>) target_semaphore(%run_scoped3A : memref<!tpu.dma_semaphore, #tpu.memory_space<semaphore_mem>>)
        %dma_wait3A = arith.constant 0 : i32
        %dma_wait3A_85 = tpu.memref_slice %arg3[%add3A, %dma_wait3A] : memref<8x2048xf32, #tpu.memory_space<hbm>> -> memref<1x2048xf32, #tpu.memory_space<hbm>>
        %dma_wait3A_86 = tpu.memref_squeeze %dma_wait3A_85 : memref<1x2048xf32, #tpu.memory_space<hbm>> -> memref<2048xf32, #tpu.memory_space<hbm>>
        %dma_wait3A_87 = arith.constant 0 : i32
        %dma_wait3A_88 = tpu.memref_slice %arg3[%add3A, %dma_wait3A_87] : memref<8x2048xf32, #tpu.memory_space<hbm>> -> memref<1x2048xf32, #tpu.memory_space<hbm>>
        %dma_wait3A_89 = tpu.memref_squeeze %dma_wait3A_88 : memref<1x2048xf32, #tpu.memory_space<hbm>> -> memref<2048xf32, #tpu.memory_space<hbm>>
        tpu.wait_dma2 semaphore(%run_scoped3A : memref<!tpu.dma_semaphore, #tpu.memory_space<semaphore_mem>>) src(%arg6 : memref<2048xf32, #tpu.memory_space<vmem>>) dst(%dma_wait3A_89 : memref<2048xf32, #tpu.memory_space<hbm>>)
        tpu.yield
      }) : () -> ()
    } else {
    }
    return
  }
}

module attributes {stable_mosaic.version = 14 : i64} {
  func.func @_bcast_kernel(%arg0: i32, %arg1: memref<128x2048xf32, #tpu.memory_space<vmem>>, %arg2: memref<8x2048xf32, #tpu.memory_space<vmem>>, %arg3: memref<8x128x2048xf32, #tpu.memory_space<vmem>>) attributes {dimension_semantics = [#tpu.dimension_semantics<arbitrary>], iteration_bounds = array<i64: 8>, scalar_prefetch = 0 : i64, scratch_operands = 0 : i64, tpu.core_type = #tpu.core_type<tc>, window_params = [{transform_indices = @transform_0, window_bounds = array<i64: 128, 2048>}, {pipeline_mode = #tpu.pipeline_mode<synchronous>, transform_indices = @transform_1, window_bounds = array<i64: 8, 2048>}, {transform_indices = @transform_2, window_bounds = array<i64: 8, 128, 2048>}]} {
    %get3A = arith.constant 0 : index
    %get3A_0 = arith.constant 0 : index
    %get3A_1 = vector.load %arg2[%get3A, %get3A_0] : memref<8x2048xf32, #tpu.memory_space<vmem>>, vector<8x2048xf32>
    %broadcast_in_dim3A = vector.shape_cast %get3A_1 : vector<8x2048xf32> to vector<8x1x2048xf32>
    %get3A_2 = arith.constant 0 : index
    %get3A_3 = arith.constant 0 : index
    %get3A_4 = vector.load %arg1[%get3A_2, %get3A_3] : memref<128x2048xf32, #tpu.memory_space<vmem>>, vector<128x2048xf32>
    %broadcast_in_dim3A_5 = vector.shape_cast %get3A_4 : vector<128x2048xf32> to vector<1x128x2048xf32>
    %mul3A = vector.broadcast %broadcast_in_dim3A : vector<8x1x2048xf32> to vector<8x128x2048xf32>
    %mul3A_6 = vector.broadcast %broadcast_in_dim3A_5 : vector<1x128x2048xf32> to vector<8x128x2048xf32>
    %mul3A_7 = arith.mulf %mul3A, %mul3A_6 : vector<8x128x2048xf32>
    %swap3A = arith.constant 0 : index
    %swap3A_8 = arith.constant 0 : index
    %swap3A_9 = arith.constant 0 : index
    %swap3A_10 = vector.load %arg3[%swap3A, %swap3A_8, %swap3A_9] : memref<8x128x2048xf32, #tpu.memory_space<vmem>>, vector<8x128x2048xf32>
    tpu.vector_store %arg3[%swap3A, %swap3A_8, %swap3A_9], %mul3A_7 {strides = array<i32>} : memref<8x128x2048xf32, #tpu.memory_space<vmem>>, vector<8x128x2048xf32>,
    return
  }
  func.func @transform_0(%arg0: i32) -> (i32, i32) {
    %c0_i32 = arith.constant 0 : i32
    %c0_i32_0 = arith.constant 0 : i32
    return %arg0, %c0_i32 : i32, i32
  }
  func.func @transform_1(%arg0: i32) -> (i32, i32) {
    %c0_i32 = arith.constant 0 : i32
    %c0_i32_0 = arith.constant 0 : i32
    %c0_i32_1 = arith.constant 0 : i32
    return %c0_i32, %c0_i32_0 : i32, i32
  }
  func.func @transform_2(%arg0: i32) -> (i32, i32, i32) {
    %c0_i32 = arith.constant 0 : i32
    %c0_i32_0 = arith.constant 0 : i32
    %c0_i32_1 = arith.constant 0 : i32
    return %c0_i32, %arg0, %c0_i32_0 : i32, i32, i32
  }
}

</mosaic_0001>

<sc_bundles>
// kernel: kernel.4.cloned.1.call-start
scs
__scs_entry_jumppad:
0x0: {  	(pc) =	sbr.rel $0x88, $3  }
0x1: {  	(tag) =	ssettag $0x0;
	lr =	simm.s32 $0x1  }
0x2: {  	[smem:$0x3F9F] =	sst lr;
	_ =	strace $0xD0000000  }
0x3: {  	_ = 	snop  }
0x4: {  	_ = 	snop  }
0x5: {  	_ = 	snop  }
0x6: {  	_ = 	snop  }
0x7: {  	_ = 	snop  }
__scs_overlays_trampoline_lowered:
0x8: {  	[smem:$0x3FAE] =	sst s0  }
0x9: {  	[smem:$0x3FAF] =	sst s1  }
0xa: {  	[smem:$0x3FB0] =	sst s2  }
0xb: {  	[smem:$0x3FB1] =	sst s3  }
0xc: {  	[smem:$0x3FB2] =	sst s4  }
0xd: {  	[smem:$0x3FB3] =	sst s5  }
0xe: {  	[smem:$0x3FB4] =	sst s6  }
0xf: {  	[smem:$0x3FB5] =	sst s7  }
0x10: {  	[smem:$0x3FB6] =	sst s8  }
0x11: {  	[smem:$0x3FB7] =	sst s9;
	s0 =	simm.s32 @!p0 $0x0  }
0x12: {  	s1 =	sld [smem:$0x3F9D];
	s0 =	simm.s32 @p0 $0x1  }
0x13: {  	[smem:$0x3FB8] =	sst s0;
	s0 =	simm.s32 @!p1 $0x0  }
0x14: {  	s2 =	sld [smem:$0x3F9C];
	s0 =	simm.s32 @p1 $0x1  }
0x15: {  	[smem:$0x3FB9] =	sst s0;
	s0 =	simm.s32 @!p2 $0x0  }
0x16: {  	s3 =	sld [smem:$0x3FDB];
	s0 =	simm.s32 @p2 $0x1  }
0x17: {  	s4 =	simm.s32 $0x1BF5;
	[smem:$0x3FBB] =	sst s0  }
0x18: {  	s0 =	sld [smem:$0x3F9E];
	_ =	swait.ge [sflag:s4], $0x0  }
0x19: {  	s7 =	sld [smem:$0x3F9F]  }
0x1a: {  	s8 =	sadd.s32 $0xFFFFE003, lr  }
0x1b: {  	s9 =	sadd.s32 $0xFFFFFEF7, lr;
	s5 =	simm.s32 $0xFFFFFFFF;
	p2 =	slt.u32 s8, $0xFFFFF086  }
0x1c: {  	p1 =	slt.u32 s9, $0xF7A;
	s5 =	simm.s32 @!p2 $0x0  }
0x1d: {  	s5 =	simm.s32 @p1 $0x1;
	p0 =	seq.s32 s7, s2  }
0x1e: {  	s7 =	smul.u32 @!p0 $0xF7A, s2;
	p2 =	seq.s32 @!p0 s5, $0x0  }
0x1f: {  	s9 =	smul.u32 $0xF7A, s1;
	s8 =	simm.s32 @!p0 $0x1BF5;
	p2 =	por !p2, p0  }
0x20: {  	[sflag:s8] =	ssyncset.s32 @!p0 $0xFFFFF086;
	s6 =	sadd.s32 @!p0 s3, s7;
	s7 =	simm.s32 @!p0 $0x108  }
0x21: {  	s3 =	sadd.s32 s3, s9;
	s6 =	sadd.s32 @!p0 $0x88, s6;
	s7 =	simm.s32 @p2 $0x1082  }
0x22: {  	[simem:s7], [sflag:s8] =	dma.local @!p0 [hbm:s6], $0xF7A  }
0x23: {  	s9 =	sor.u32 $0xD0000000, s2;
	s6 =	simm.s32 $0x108;
	_ =	swait.ge @!p0 [sflag:s8], $0x0  }
0x24: {  	s3 =	sadd.s32 $0x88, s3;
	s6 =	simm.s32 @!p1 $0x1082;
	[sflag:s4] =	ssyncset.s32 $0xFFFFF086  }
0x25: {  	[simem:s6], [sflag:s4] =	dma.local [hbm:s3], $0xF7A  }
0x26: {  	[smem:$0x3F9F] =	sst s1;
	(tag) =	ssettag s2;
	_ =	strace s9  }
0x27: {  	s1 =	sld [smem:$0x3FAF]  }
0x28: {  	s2 =	sld [smem:$0x3FB0]  }
0x29: {  	s4 =	sld [smem:$0x3FB2]  }
0x2a: {  	p0 =	seq.s32 s5, $0x0;
	s5 =	sld [smem:$0x3FB3]  }
0x2b: {  	s6 =	sld [smem:$0x3FB4]  }
0x2c: {  	s7 =	sld [smem:$0x3FB5]  }
0x2d: {  	s3 =	simm.s32 $0x108;
	s8 =	sld [smem:$0x3FB6]  }
0x2e: {  	s3 =	simm.s32 @!p0 $0x1082;
	s9 =	sld [smem:$0x3FB7]  }
0x2f: {  	lr =	sadd.s32 s0, s3;
	s0 =	sld [smem:$0x3FAE]  }
0x30: {  	s3 =	sld [smem:$0x3FB1]  }
0x31: {  	[smem:$0x3FBA] =	sst s10  }
0x32: {  	s10 =	sld [smem:$0x3FB8];
	_ =	sdelay $0x3  }
0x33: {  	p0 =	seq.s32 s10, $0x1;
	s10 =	sld [smem:$0x3FBA];
	_ =	sdelay $0x3  }
0x34: {  	[smem:$0x3FBA] =	sst s10  }
0x35: {  	s10 =	sld [smem:$0x3FB9];
	_ =	sdelay $0x3  }
0x36: {  	p1 =	seq.s32 s10, $0x1;
	s10 =	sld [smem:$0x3FBA];
	_ =	sdelay $0x3  }
0x37: {  	[smem:$0x3FBA] =	sst s10  }
0x38: {  	s10 =	sld [smem:$0x3FBB]  }
0x39: {  	_ = 	snop;
	(pc) =	sbr.ind lr, $3  }
0x3a: {  	_ = 	snop  }
0x3b: {  	_ = 	snop  }
0x3c: {  	p2 =	seq.s32 s10, $0x1;
	s10 =	sld [smem:$0x3FBA]  }
0x3d: {  	_ =	shalt  }
0x3e: {  	_ =	shalt  }
0x3f: {  	_ =	shalt  }
0x40: {  	_ =	shalt  }
0x41: {  	_ =	shalt  }
0x42: {  	_ =	shalt  }
0x43: {  	_ =	shalt  }
0x44: {  	_ =	shalt  }
0x45: {  	_ =	shalt  }
0x46: {  	_ =	shalt  }
0x47: {  	_ =	shalt  }
0x48: {  	_ =	shalt  }
0x49: {  	_ =	shalt  }
0x4a: {  	_ =	shalt  }
0x4b: {  	_ =	shalt  }
0x4c: {  	_ =	shalt  }
0x4d: {  	_ =	shalt  }
0x4e: {  	_ =	shalt  }
0x4f: {  	_ =	shalt  }
0x50: {  	_ =	shalt  }
0x51: {  	_ =	shalt  }
0x52: {  	_ =	shalt  }
0x53: {  	_ =	shalt  }
0x54: {  	_ =	shalt  }
0x55: {  	_ =	shalt  }
0x56: {  	_ =	shalt  }
0x57: {  	_ =	shalt  }
0x58: {  	_ =	shalt  }
0x59: {  	_ =	shalt  }
0x5a: {  	_ =	shalt  }
0x5b: {  	_ =	shalt  }
0x5c: {  	_ =	shalt  }
0x5d: {  	_ =	shalt  }
0x5e: {  	_ =	shalt  }
0x5f: {  	_ =	shalt  }
0x60: {  	_ =	shalt  }
0x61: {  	_ =	shalt  }
0x62: {  	_ =	shalt  }
0x63: {  	_ =	shalt  }
0x64: {  	_ =	shalt  }
0x65: {  	_ =	shalt  }
0x66: {  	_ =	shalt  }
0x67: {  	_ =	shalt  }
0x68: {  	_ =	shalt  }
0x69: {  	_ =	shalt  }
0x6a: {  	_ =	shalt  }
0x6b: {  	_ =	shalt  }
0x6c: {  	_ =	shalt  }
0x6d: {  	_ =	shalt  }
0x6e: {  	_ =	shalt  }
0x6f: {  	_ =	shalt  }
0x70: {  	_ =	shalt  }
0x71: {  	_ =	shalt  }
0x72: {  	_ =	shalt  }
0x73: {  	_ =	shalt  }
0x74: {  	_ =	shalt  }
0x75: {  	_ =	shalt  }
0x76: {  	_ =	shalt  }
0x77: {  	_ =	shalt  }
0x78: {  	_ =	shalt  }
0x79: {  	_ =	shalt  }
0x7a: {  	_ =	shalt  }
0x7b: {  	_ =	shalt  }
0x7c: {  	_ =	shalt  }
0x7d: {  	_ =	shalt  }
0x7e: {  	_ =	shalt  }
0x7f: {  	_ =	shalt  }
0x80: {  	_ =	shalt  }
0x81: {  	_ =	shalt  }
0x82: {  	_ =	shalt  }
0x83: {  	_ =	shalt  }
0x84: {  	_ =	shalt  }
0x85: {  	_ =	shalt  }
0x86: {  	_ =	shalt  }
0x87: {  	_ =	shalt  }
.Lfunc_end0:
.L_simem_size_0:
called_computation_lowered:
.L_overlay_start_0:
0x88: {  	s2 =	sld [smem:$0x3FD9]  }
0x89: {  	s3 =	sld [smem:$0x3FFE];
	_ =	sdelay $0x1  }
0x8a: {  	s1 =	srdreg.scid  }
0x8b: {  	s0 =	sand.u32 $0x1, s1  }
0x8c: {  	s15 =	sshll.u32 s0, $0xA;
	s2 =	sadd.s32 s3, s2  }
0x8d: {  	s2 =	sadd.s32 s2, s15  }
0x8e: {  	[smem:$0x3FC6] =	sst s2  }
0x8f: {  	_ = 	snop  }
0x90: {  	s2 =	sld [smem:$0x3FD0];
	_ =	sdelay $0x2  }
0x91: {  	s16 =	simm.s32 $0xA;
	s4 =	simm.s32 $0x10  }
0x92: {  	[smem:s4], [sflag:s16] =	dma.local [hbm:s2], $0x1  }
0x93: {  	_ =	swait.eq [sflag:s16], $0x1  }
0x94: {  	[sflag:s16] =	ssyncset.done $0x0  }
0x95: {  	s17 =	sld [smem:$0x10];
	[sflag:s16] =	ssyncadd.s32 $0xFFFFFFFF  }
0x96: {  	s18 =	sld [smem:$0x11];
	(tm) =	ssettm $0x1  }
0x97: {  	s19 =	sld [smem:$0x3FFB];
	_ =	sdelay $0x3  }
0x98: {  	_ =	strace s19  }
0x99: {  	s4 =	sld [smem:$0x3FFC];
	_ =	sdelay $0x3  }
0x9a: {  	_ =	strace s4  }
0x9b: {  	s4 =	sld [smem:$0x3FFD];
	_ =	sdelay $0x3  }
0x9c: {  	_ =	strace s4  }
0x9d: {  	_ =	strace $0x8FFFFFFF  }
0x9e: {  	s20 =	sld [smem:$0x3FDB];
	_ =	sdelay $0x1  }
0x9f: {  	s5 =	simm.s32 $_scs_section_size  }
0xa0: {  	s6 =	simm.s32 $_size__tile_overlayer_lowered;
	s7 =	simm.s32 $_tile_overlayer_lowered  }
0xa1: {  	s23 =	simm.s32 $0x1BFF;
	s22 =	sshll.u32 s7, $0x1;
	s4 =	sadd.s32 s5, s20  }
0xa2: {  	s8 =	simm.s32 $0x0;
	s21 =	sshll.u32 s6, $0x1;
	s6 =	sadd.s32 s22, s4  }
0xa3: {  	[timem:s8], [sflag:s23] =	dma.local [hbm:s6], s21  }
0xa4: {  	_ =	swait.ge [sflag:s23], s21  }
0xa5: {  	s5 =	ssub.s32 $0x0, s21;
	[sflag:s23] =	ssyncset.done $0x0  }
0xa6: {  	[sflag:s23] =	ssyncadd.s32 s5;
	_ =	sdelay $0x1  }
0xa7: {  	s24 =	simm.s32 $0x1B8B  }
0xa8: {  	_ =	swait.ge [sflag:s24], $0x1  }
0xa9: {  	[sflag:s24] =	ssyncset.done $0x0  }
0xaa: {  	s25 =	simm.s32 $0x1B8E;
	[sflag:s24] =	ssyncadd.s32 $0xFFFFFFFF  }
0xab: {  	s26 =	simm.s32 $execute0_lowered;
	[smem:$0x3FD2] =	sst s25  }
0xac: {  	s5 =	sshll.u32 s26, $0x1;
	_ =	strace $0x80000046;
	[dreg:$0x1] =	wrdreg $0xFFFFFFFF  }
0xad: {  	s28 =	simm.s32 $_size_execute0_lowered;
	s4 =	sadd.s32 s4, s5;
	[dreg:$0x0] =	wrdreg $0x0  }
0xae: {  	s5 =	sshll.u32 s28, $0x1;
	[dreg:$0x2] =	wrdreg s4  }
0xaf: {  	[dreg:$0x3] =	wrdreg s5  }
0xb0: {  	[dreg:$0x4] =	wrdreg $0xC0  }
0xb1: {  	_ =	task [dreg:s8], $0x5FFFF  }
0xb2: {  	[dreg:$0x1] =	wrdreg $0xFFFFFFFF  }
0xb3: {  	[dreg:$0x0] =	wrdreg $0x60  }
0xb4: {  	[dreg:$0x2] =	wrdreg s17  }
0xb5: {  	[dreg:$0x3] =	wrdreg s18  }
0xb6: {  	[dreg:$0x4] =	wrdreg $0x9  }
0xb7: {  	_ =	task.clear_ibuf [dreg:s8], $0x5FFFF;
	_ =	strace $0x90000046  }
0xb8: {  	s29 =	simm.s32 $0x9;
	_ =	strace $0x80000048  }
0xb9: {  	_ =	swait.ge [sflag:s29], $0x1  }
0xba: {  	[sflag:s29] =	ssyncadd.s32 $0xFFFFFFFF  }
0xbb: {  	_ =	strace $0x90000048  }
0xbc: {  	_ =	sfence  }
0xbd: {  	s30 =	sld [smem:$0x0];
	_ =	sdelay $0x2  }
0xbe: {  	s31 =	sshll.u32 s1, $0xD;
	s1 =	sshrl.u32 s1, $0x2  }
0xbf: {  	s3 =	sand.u32 $0x4000, s31;
	s1 =	sadd.s32 s1, s30  }
0xc0: {  	s0 =	sor.u32 s3, s0;
	s1 =	sshll.u32 s1, $0x11  }
0xc1: {  	s0 =	sor.u32 s1, s0  }
0xc2: {  	s0 =	sadd.s32 $0x8F2B, s0  }
0xc3: {  	[sflag:s0] =	ssyncadd.remote.s32 $0x1  }
0xc4: {  	_ =	sfence.sel $0xFFFF  }
0xc5: {  	[dreg:$0x0] =	wrdreg $0xFFFFFFFF;
	(pc) =	sbr.abs _section_cstart, $3  }
0xc6: {  	[dreg:$0x1] =	wrdreg $0xFFFFFFFF  }
0xc7: {  	_ =	task.clear_ibuf [dreg:s8], $0x2FFFF;
	_ =	strace $0x9FFFFFFF  }
0xc8: {  	(tm) =	ssettm $0x7FFFFFFF  }
0xc9: {  	_ =	shalt  }
tec
execute0_lowered:
.L_overlay_start_1:
0x0: {  	(tag) =	ssettag $0x1  }
0x1: {  	s1 =	stileid.u32  }
0x2: {  	p0 =	sgt.u32 s1, $0x3  }
.Ltmp0:
0x3: {  	_ = 	snop;
	(pc) =	sbr.rel @p0 .LBB2_24-.Ltmp0, $4  }
0x4: {  	s4 =	rddreg [dreg:$0x0]  }
0x5: {  	s3 =	rddreg [dreg:$0x1];
	s2 =	simm.s32 $0x0  }
0x6: {  	[smem:$0x7FF] =	sst s2  }
0x7: {  	s0 =	rddreg [dreg:$0x2];
	_ =	strace $0x80000047  }
0x8: {  	s5 =	srdreg.scid;
	s6 =	sshll.u32 s1, $0x5  }
.Ltmp1:
0x9: {  	s8 =	simm.s32 $0x1;
	s5 =	sand.u32 $0x1, s5;
	(pc) =	sbr.rel .LBB2_2-.Ltmp1, $4  }
0xa: {  	s9 =	simm.s32 $0x80000000;
	s7 =	sshll.u32 s5, $0x4;
	s5 =	ssub.s32 $0x2, s5  }
0xb: {  	s10 =	simm.s32 $0x1000;
	s6 =	sor.u32 s7, s6;
	s31 =	sshrl.u32 s5, $0x1  }
0xc: {  	v0 =	vimm.s32 $0x0;
	s7 =	simm.s32 $0x400;
	s3 =	sadd.s32 s3, s6;
	s5 =	ssub.s32 s5, s31  }
0xd: {  	v1 =	vimm.f32 $1.000000000e+00;
	v2 =	vlaneseq.u32;
	v3 =	vimm.f32 $0.0e+00;
	s4 =	sadd.s32 s4, s6;
	s6 =	simm.s32 $0x80;
	s5 =	smax.u32 s5, $0x1  }
.LBB2_23:
0xe: {  	s2 =	sadd.s32 $0x1, s2  }
0xf: {  	p0 =	sne.s32 s2, s5  }
.Ltmp2:
0x10: {  	_ = 	snop;
	(pc) =	sbr.rel @!p0 .LBB2_24-.Ltmp2, $4  }
0x11: {  	[hbm4b:s3+s6] =	stream.strided.scatter [tilespmem:s10], [sflag:$0x1], $0x800, s7, s6, $0x38;
	[tilespmem:$0x1800] =	vst v63  }
0x12: {  	_ =	swait.ge [sflag:s8], $0x800  }
0x13: {  	[sflag:s8] =	ssyncset.done $0x0  }
0x14: {  	[sflag:s8] =	ssyncadd.s32 $0xFFFFF800  }
.LBB2_2:
0x15: {  	s11 =	simm.s32 $0x0  }
0x16: {  	[tilespmem:s11], [sflag:$0x1] =	stream.strided.gather [hbm4b:s4+s6], $0x800, s7, s6, $0x38;
	[tilespmem:$0x1800] =	vst v63  }
0x17: {  	_ =	swait.ge [sflag:s8], $0x800  }
0x18: {  	[sflag:s8] =	ssyncset.done $0x0  }
0x19: {  	s12 =	simm.s32 $0x0;
	[sflag:s8] =	ssyncadd.s32 $0xFFFFF800  }
0x1a: {  	v4 =	vld [tilespmem:s12+$0x0]  }
0x1b: {  	s13 =	simm.s32 $0x40  }
.LBB2_3:
0x1c: {  	p0 =	sne.s32 s13, $0x1FC0  }
.Ltmp3:
0x1d: {  	_ = 	snop;
	(pc) =	sbr.rel @p0 .LBB2_3-.Ltmp3, $4  }
0x1e: {  	_ = 	snop  }
0x1f: {  	s14 =	sshra.s32 s13, $0x2;
	s13 =	sadd.s32 $0x40, s13;
	v5 =	vxor.u32 $0x7FFFFFFF, v4;
	vm0 =	vlt.s32 v4, $0x0  }
0x20: {  	v5 =	vsel vm0, v5, v4;
	v4 =	vld [tilespmem:s14+$0x0]  }
0x21: {  	[tilespmem:s12+$0x800] =	vst v5;
	s12 =	smov.u32 s14  }
0x22: {  	_ =	sdelay $0x2  }
0x23: {  	v5 =	vxor.u32 $0x7FFFFFFF, v4;
	vm0 =	vlt.s32 v4, $0x0  }
0x24: {  	v4 =	vsel vm0, v5, v4  }
0x25: {  	[tilespmem:s12+$0x800] =	vst v4;
	s12 =	simm.s32 $0x0  }
.LBB2_5:
0x26: {  	s13 =	sshrl.u32 s9, s12  }
0x27: {  	s15 =	simm.s32 $0x0;
	s13 =	sor.u32 s13, s11  }
0x28: {  	v6 =	vld [tilespmem:s15+$0x800];
	s14 =	sxor.u32 $0x80000000, s13  }
0x29: {  	v4 =	vimm.s32 $0x0;
	v5 =	vmov s14;
	s14 =	simm.s32 $0x40  }
.LBB2_6:
0x2a: {  	p0 =	sne.s32 s14, $0x1FC0  }
.Ltmp4:
0x2b: {  	_ = 	snop;
	(pc) =	sbr.rel @p0 .LBB2_6-.Ltmp4, $4  }
0x2c: {  	_ = 	snop  }
0x2d: {  	s15 =	sshra.s32 s14, $0x2;
	s14 =	sadd.s32 $0x40, s14;
	vm0 =	vge.s32 v6, v5  }
0x2e: {  	v6 =	vld [tilespmem:s15+$0x800];
	v7 =	vsel vm0, $0x1, v0  }
0x2f: {  	v4 =	vadd.s32 v7, v4  }
0x30: {  	_ =	sdelay $0x2  }
0x31: {  	vm0 =	vge.s32 v6, v5  }
0x32: {  	v5 =	vsel vm0, $0x1, v0  }
0x33: {  	v4 =	vadd.s32 v5, v4  }
0x34: {  	(v2sf) =	vpush v4, $0x0  }
0x35: {  	(v2sf) =	vpush v4, $0x1  }
0x36: {  	(v2sf) =	vpush v4, $0x2  }
0x37: {  	(v2sf) =	vpush v4, $0x3  }
0x38: {  	(v2sf) =	vpush v4, $0x4  }
0x39: {  	(v2sf) =	vpush v4, $0x5  }
0x3a: {  	(v2sf) =	vpush v4, $0x6  }
0x3b: {  	(v2sf) =	vpush v4, $0x7  }
0x3c: {  	(v2sf) =	vpush v4, $0x8  }
0x3d: {  	(v2sf) =	vpush v4, $0x9  }
0x3e: {  	(v2sf) =	vpush v4, $0xA  }
0x3f: {  	(v2sf) =	vpush v4, $0xB  }
0x40: {  	(v2sf) =	vpush v4, $0xC  }
0x41: {  	(v2sf) =	vpush v4, $0xD  }
0x42: {  	(v2sf) =	vpush v4, $0xE  }
0x43: {  	s14 =	spop (v2sf);
	(v2sf) =	vpush v4, $0xF  }
0x44: {  	s15 =	spop (v2sf)  }
0x45: {  	s14 =	sadd.s32 s15, s14;
	s17 =	spop (v2sf)  }
0x46: {  	s14 =	sadd.s32 s17, s14;
	s18 =	spop (v2sf)  }
0x47: {  	s14 =	sadd.s32 s18, s14;
	s19 =	spop (v2sf)  }
0x48: {  	s14 =	sadd.s32 s19, s14;
	s20 =	spop (v2sf)  }
0x49: {  	s14 =	sadd.s32 s20, s14;
	s21 =	spop (v2sf)  }
0x4a: {  	s14 =	sadd.s32 s21, s14;
	s22 =	spop (v2sf)  }
0x4b: {  	s14 =	sadd.s32 s22, s14;
	s23 =	spop (v2sf)  }
0x4c: {  	s14 =	sadd.s32 s23, s14;
	s24 =	spop (v2sf)  }
0x4d: {  	s14 =	sadd.s32 s24, s14;
	s25 =	spop (v2sf)  }
0x4e: {  	s14 =	sadd.s32 s25, s14;
	s26 =	spop (v2sf)  }
0x4f: {  	s12 =	sadd.s32 $0x1, s12;
	s14 =	sadd.s32 s26, s14;
	s28 =	spop (v2sf)  }
0x50: {  	p1 =	sne.s32 s12, $0x20;
	s14 =	sadd.s32 s28, s14;
	s29 =	spop (v2sf)  }
.Ltmp5:
0x51: {  	s14 =	sadd.s32 s29, s14;
	s30 =	spop (v2sf);
	(pc) =	sbr.rel @p1 .LBB2_5-.Ltmp5, $4  }
0x52: {  	s14 =	sadd.s32 s30, s14;
	s31 =	spop (v2sf)  }
0x53: {  	s14 =	sadd.s32 s31, s14  }
0x54: {  	p0 =	sgt.s32 s14, $0xFF  }
0x55: {  	s11 =	smov.u32 @p0 s13  }
0x56: {  	s12 =	simm.s32 $0x0  }
0x57: {  	s11 =	sxor.u32 $0x80000000, s11;
	v6 =	vld [tilespmem:s12+$0x800]  }
0x58: {  	v5 =	vimm.s32 $0x0;
	v4 =	vmov s11;
	s11 =	simm.s32 $0x40  }
.LBB2_9:
0x59: {  	p0 =	sne.s32 s11, $0x1FC0  }
.Ltmp6:
0x5a: {  	_ = 	snop;
	(pc) =	sbr.rel @p0 .LBB2_9-.Ltmp6, $4  }
0x5b: {  	_ = 	snop  }
0x5c: {  	s12 =	sshra.s32 s11, $0x2;
	s11 =	sadd.s32 $0x40, s11;
	vm0 =	vge.s32 v6, v4  }
0x5d: {  	v6 =	vld [tilespmem:s12+$0x800];
	v7 =	vsel vm0, $0x1, v0  }
0x5e: {  	v5 =	vadd.s32 v7, v5  }
0x5f: {  	_ =	sdelay $0x2  }
0x60: {  	vm0 =	vge.s32 v6, v4  }
0x61: {  	v6 =	vsel vm0, $0x1, v0  }
0x62: {  	v5 =	vadd.s32 v6, v5  }
0x63: {  	(v2sf) =	vpush v5, $0x0  }
0x64: {  	(v2sf) =	vpush v5, $0x1  }
0x65: {  	(v2sf) =	vpush v5, $0x2  }
0x66: {  	(v2sf) =	vpush v5, $0x3  }
0x67: {  	(v2sf) =	vpush v5, $0x4  }
0x68: {  	(v2sf) =	vpush v5, $0x5  }
0x69: {  	(v2sf) =	vpush v5, $0x6  }
0x6a: {  	(v2sf) =	vpush v5, $0x7  }
0x6b: {  	(v2sf) =	vpush v5, $0x8  }
0x6c: {  	(v2sf) =	vpush v5, $0x9  }
0x6d: {  	(v2sf) =	vpush v5, $0xA  }
0x6e: {  	(v2sf) =	vpush v5, $0xB  }
0x6f: {  	(v2sf) =	vpush v5, $0xC  }
0x70: {  	(v2sf) =	vpush v5, $0xD  }
0x71: {  	(v2sf) =	vpush v5, $0xE  }
0x72: {  	s11 =	spop (v2sf);
	(v2sf) =	vpush v5, $0xF  }
0x73: {  	s12 =	spop (v2sf)  }
0x74: {  	s11 =	sadd.s32 s12, s11;
	s17 =	spop (v2sf)  }
0x75: {  	s11 =	sadd.s32 s17, s11;
	s18 =	spop (v2sf)  }
0x76: {  	s11 =	sadd.s32 s18, s11;
	s19 =	spop (v2sf)  }
0x77: {  	s11 =	sadd.s32 s19, s11;
	s20 =	spop (v2sf)  }
0x78: {  	s11 =	sadd.s32 s20, s11;
	s21 =	spop (v2sf)  }
0x79: {  	s11 =	sadd.s32 s21, s11;
	s22 =	spop (v2sf)  }
0x7a: {  	s11 =	sadd.s32 s22, s11;
	s23 =	spop (v2sf)  }
0x7b: {  	s11 =	sadd.s32 s23, s11;
	s24 =	spop (v2sf)  }
0x7c: {  	s11 =	sadd.s32 s24, s11;
	s25 =	spop (v2sf)  }
0x7d: {  	s11 =	sadd.s32 s25, s11;
	s26 =	spop (v2sf)  }
0x7e: {  	s11 =	sadd.s32 s26, s11;
	s28 =	spop (v2sf)  }
0x7f: {  	s11 =	sadd.s32 s28, s11;
	s29 =	spop (v2sf)  }
0x80: {  	s11 =	sadd.s32 s29, s11;
	s30 =	spop (v2sf)  }
0x81: {  	s11 =	sadd.s32 s30, s11;
	s31 =	spop (v2sf)  }
0x82: {  	s11 =	sadd.s32 s31, s11  }
0x83: {  	p0 =	sne.s32 s11, $0x100  }
.Ltmp7:
0x84: {  	_ = 	snop;
	(pc) =	sbr.rel @p0 .LBB2_14-.Ltmp7, $2  }
0x85: {  	_ =	sdelay $0x2  }
0x86: {  	v5 =	vimm.s32 $0x0;
	s11 =	simm.s32 $0x0  }
0x87: {  	s11 =	simm.s32 $0x0  }
0x88: {  	v5 =	vld [tilespmem:s11+$0x800]  }
0x89: {  	s12 =	simm.s32 $0x40  }
.LBB2_12:
0x8a: {  	p0 =	seq.s32 s12, $0x1FC0  }
.Ltmp8:
0x8b: {  	_ = 	snop;
	(pc) =	sbr.rel @!p0 .LBB2_12-.Ltmp8, $4  }
0x8c: {  	_ = 	snop  }
0x8d: {  	s13 =	sshra.s32 s12, $0x2;
	s12 =	sadd.s32 $0x40, s12;
	vm0 =	vlt.s32 v5, v4  }
0x8e: {  	v5 =	vld [tilespmem:s13+$0x800];
	v6 =	vsel vm0, $0x0, v1  }
0x8f: {  	[tilespmem:s11+$0x1000] =	vst v6;
	s11 =	smov.u32 s13  }
0x90: {  	_ = 	snop  }
.Ltmp9:
0x91: {  	_ = 	snop;
	(pc) =	sbr.rel .LBB2_23-.Ltmp9, $4  }
0x92: {  	_ = 	snop  }
0x93: {  	vm0 =	vlt.s32 v5, v4  }
0x94: {  	v4 =	vsel vm0, $0x0, v1  }
0x95: {  	[tilespmem:s11+$0x1000] =	vst v4  }
.LBB2_14:
0x96: {  	s12 =	sshra.s32 s11, $0x2  }
0x97: {  	v6 =	vld [tilespmem:s12+$0x800]  }
0x98: {  	s11 =	sadd.s32 $0x40, s11  }
.LBB2_15:
0x99: {  	p0 =	sne.s32 s11, $0x1FC0  }
.Ltmp10:
0x9a: {  	_ = 	snop;
	(pc) =	sbr.rel @p0 .LBB2_15-.Ltmp10, $4  }
0x9b: {  	_ = 	snop  }
0x9c: {  	s12 =	sshra.s32 s11, $0x2;
	s11 =	sadd.s32 $0x40, s11;
	vm0 =	vgt.s32 v6, v4  }
0x9d: {  	v6 =	vld [tilespmem:s12+$0x800];
	v7 =	vsel vm0, $0x1, v0  }
0x9e: {  	v5 =	vadd.s32 v7, v5  }
0x9f: {  	_ =	sdelay $0x2  }
0xa0: {  	vm0 =	vgt.s32 v6, v4  }
0xa1: {  	v6 =	vsel vm0, $0x1, v0  }
0xa2: {  	v5 =	vadd.s32 v6, v5  }
0xa3: {  	(v2sf) =	vpush v5, $0x0  }
0xa4: {  	(v2sf) =	vpush v5, $0x1  }
0xa5: {  	(v2sf) =	vpush v5, $0x2  }
0xa6: {  	(v2sf) =	vpush v5, $0x3  }
0xa7: {  	(v2sf) =	vpush v5, $0x4  }
0xa8: {  	(v2sf) =	vpush v5, $0x5  }
0xa9: {  	(v2sf) =	vpush v5, $0x6  }
0xaa: {  	(v2sf) =	vpush v5, $0x7  }
0xab: {  	(v2sf) =	vpush v5, $0x8  }
0xac: {  	(v2sf) =	vpush v5, $0x9  }
0xad: {  	(v2sf) =	vpush v5, $0xA  }
0xae: {  	(v2sf) =	vpush v5, $0xB  }
0xaf: {  	(v2sf) =	vpush v5, $0xC  }
0xb0: {  	(v2sf) =	vpush v5, $0xD  }
0xb1: {  	(v2sf) =	vpush v5, $0xE  }
0xb2: {  	s11 =	spop (v2sf);
	(v2sf) =	vpush v5, $0xF  }
0xb3: {  	s12 =	spop (v2sf)  }
0xb4: {  	s13 =	spop (v2sf);
	s11 =	sadd.s32 s11, s12  }
0xb5: {  	s18 =	spop (v2sf);
	s11 =	sadd.s32 s13, s11  }
0xb6: {  	s19 =	spop (v2sf);
	s11 =	sadd.s32 s18, s11  }
0xb7: {  	s20 =	spop (v2sf);
	s11 =	sadd.s32 s19, s11  }
0xb8: {  	s21 =	spop (v2sf);
	s11 =	sadd.s32 s20, s11  }
0xb9: {  	s22 =	spop (v2sf);
	s11 =	sadd.s32 s21, s11  }
0xba: {  	s23 =	spop (v2sf);
	s11 =	sadd.s32 s22, s11  }
0xbb: {  	s24 =	spop (v2sf);
	s11 =	sadd.s32 s23, s11  }
0xbc: {  	s25 =	spop (v2sf);
	s11 =	sadd.s32 s24, s11  }
0xbd: {  	s26 =	spop (v2sf);
	s11 =	sadd.s32 s25, s11  }
0xbe: {  	s28 =	spop (v2sf);
	s11 =	sadd.s32 s26, s11  }
0xbf: {  	s29 =	spop (v2sf);
	s11 =	sadd.s32 s28, s11  }
0xc0: {  	s30 =	spop (v2sf);
	s11 =	sadd.s32 s29, s11  }
0xc1: {  	s31 =	spop (v2sf);
	s11 =	sadd.s32 s30, s11  }
0xc2: {  	s15 =	simm.s32 $0x7FF;
	s14 =	simm.s32 $0x0;
	s11 =	sadd.s32 s31, s11  }
0xc3: {  	s13 =	simm.s32 $0x0;
	s12 =	ssub.s32 $0x100, s11;
	s11 =	simm.s32 $0x0  }
.LBB2_17:
0xc4: {  	s16 =	sadd.s32 s11, s15  }
0xc5: {  	s17 =	sand.u32 $0x1, s16  }
0xc6: {  	s31 =	simm.s32 $0x800;
	p0 =	slt.s32 s16, $0x1;
	p1 =	seq.s32 s17, $0x1  }
0xc7: {  	s18 =	sshrl.u32 s16, $0x1F;
	v7 =	vld [tilespmem:s31+$0x0];
	p0 =	por !p0, !p1  }
0xc8: {  	s16 =	sadd.s32 s18, s16;
	s17 =	simm.s32 $0x1;
	p0 =	por !p0, !p0  }
0xc9: {  	s16 =	sshra.s32 s16, $0x1;
	s17 =	simm.s32 @!p0 $0x0  }
0xca: {  	s16 =	ssub.s32 s16, s17  }
0xcb: {  	v8 =	vor.u32 s13, v2;
	v6 =	vmov s16  }
0xcc: {  	v5 =	vimm.s32 $0x0;
	s18 =	simm.s32 $0x810;
	s17 =	simm.s32 $0x10;
	vm0 =	veq.s32 v7, v4;
	vm1 =	vle.s32 v8, v6  }
.LBB2_18:
0xcd: {  	v7 =	vld [tilespmem:s18+$0x0];
	p0 =	sne.s32 s17, $0x7F0;
	vm0 =	vmand vm1, vm0;
	s19 =	smov.u32 s17;
	s17 =	sadd.s32 $0x10, s17  }
.Ltmp11:
0xce: {  	v8 =	vsel vm0, $0x1, v0;
	(pc) =	sbr.rel @p0 .LBB2_18-.Ltmp11, $3  }
0xcf: {  	v5 =	vadd.s32 v8, v5;
	_ =	sdelay $0x1  }
0xd0: {  	v8 =	vor.u32 s19, v2  }
0xd1: {  	s18 =	sadd.s32 $0x10, s18;
	vm1 =	vle.s32 v8, v6;
	vm0 =	veq.s32 v7, v4  }
0xd2: {  	vm0 =	vmand vm1, vm0  }
0xd3: {  	v6 =	vsel vm0, $0x1, v0  }
0xd4: {  	v5 =	vadd.s32 v6, v5  }
0xd5: {  	(v2sf) =	vpush v5, $0x0  }
0xd6: {  	(v2sf) =	vpush v5, $0x1  }
0xd7: {  	(v2sf) =	vpush v5, $0x2  }
0xd8: {  	(v2sf) =	vpush v5, $0x3  }
0xd9: {  	(v2sf) =	vpush v5, $0x4  }
0xda: {  	(v2sf) =	vpush v5, $0x5  }
0xdb: {  	(v2sf) =	vpush v5, $0x6  }
0xdc: {  	(v2sf) =	vpush v5, $0x7  }
0xdd: {  	(v2sf) =	vpush v5, $0x8  }
0xde: {  	(v2sf) =	vpush v5, $0x9  }
0xdf: {  	(v2sf) =	vpush v5, $0xA  }
0xe0: {  	(v2sf) =	vpush v5, $0xB  }
0xe1: {  	(v2sf) =	vpush v5, $0xC  }
0xe2: {  	(v2sf) =	vpush v5, $0xD  }
0xe3: {  	(v2sf) =	vpush v5, $0xE  }
0xe4: {  	s17 =	spop (v2sf);
	(v2sf) =	vpush v5, $0xF  }
0xe5: {  	s18 =	spop (v2sf)  }
0xe6: {  	s17 =	sadd.s32 s18, s17;
	s30 =	spop (v2sf)  }
0xe7: {  	s17 =	sadd.s32 s30, s17;
	s31 =	spop (v2sf)  }
0xe8: {  	s17 =	sadd.s32 s31, s17;
	s19 =	spop (v2sf)  }
0xe9: {  	s17 =	sadd.s32 s19, s17;
	s20 =	spop (v2sf)  }
0xea: {  	s17 =	sadd.s32 s20, s17;
	s21 =	spop (v2sf)  }
0xeb: {  	s17 =	sadd.s32 s21, s17;
	s22 =	spop (v2sf)  }
0xec: {  	s17 =	sadd.s32 s22, s17;
	s23 =	spop (v2sf)  }
0xed: {  	s17 =	sadd.s32 s23, s17;
	s24 =	spop (v2sf)  }
0xee: {  	s17 =	sadd.s32 s24, s17;
	s25 =	spop (v2sf)  }
0xef: {  	s17 =	sadd.s32 s25, s17;
	s26 =	spop (v2sf)  }
0xf0: {  	s17 =	sadd.s32 s26, s17;
	s28 =	spop (v2sf)  }
0xf1: {  	s14 =	sadd.s32 $0x1, s14;
	s17 =	sadd.s32 s28, s17;
	s29 =	spop (v2sf)  }
0xf2: {  	p1 =	sne.s32 s14, $0xB;
	s17 =	sadd.s32 s29, s17;
	s30 =	spop (v2sf)  }
.Ltmp12:
0xf3: {  	s17 =	sadd.s32 s30, s17;
	s31 =	spop (v2sf);
	(pc) =	sbr.rel @p1 .LBB2_17-.Ltmp12, $4  }
0xf4: {  	s17 =	sadd.s32 s31, s17  }
0xf5: {  	p0 =	slt.s32 s17, s12  }
0xf6: {  	s17 =	sadd.s32 $0x1, s16;
	s16 =	smov.u32 @p0 s15  }
0xf7: {  	s11 =	smov.u32 @p0 s17;
	s15 =	smov.u32 s16  }
0xf8: {  	s12 =	simm.s32 $0x800  }
0xf9: {  	v6 =	vld [tilespmem:s12+$0x0];
	_ =	sdelay $0x2  }
0xfa: {  	s31 =	simm.s32 $0x0  }
0xfb: {  	v5 =	vmov s11;
	v7 =	vor.u32 s31, v2  }
0xfc: {  	vm1 =	vle.s32 v7, v5;
	vm0 =	veq.s32 v6, v4  }
0xfd: {  	vm2 =	vgt.s32 v6, v4;
	vm0 =	vmand vm1, vm0  }
0xfe: {  	vm0 =	vmor vm2, vm0  }
0xff: {  	s11 =	simm.s32 $0x1000;
	v6 =	vsel vm0, $0x3F800000, v3  }
0x100: {  	s12 =	simm.s32 $0x810;
	[tilespmem:s11+$0x0] =	vst v6  }
0x101: {  	s13 =	simm.s32 $0x10;
	s14 =	simm.s32 $0x20;
	v6 =	vld [tilespmem:s12+$0x0]  }
.LBB2_21:
0x102: {  	p0 =	sne.s32 s14, $0x7F0;
	_ =	sdelay $0x2  }
0x103: {  	v7 =	vor.u32 s13, v2;
	s13 =	smov.u32 s14  }
0x104: {  	vm1 =	vle.s32 v7, v5;
	vm0 =	veq.s32 v6, v4  }
.Ltmp13:
0x105: {  	vm2 =	vgt.s32 v6, v4;
	vm0 =	vmand vm1, vm0;
	(pc) =	sbr.rel @p0 .LBB2_21-.Ltmp13, $4  }
0x106: {  	vm0 =	vmor vm2, vm0  }
0x107: {  	s11 =	sadd.s32 $0x10, s11;
	v6 =	vsel vm0, $0x3F800000, v3  }
0x108: {  	s12 =	sadd.s32 $0x10, s12;
	[tilespmem:s11+$0x0] =	vst v6  }
0x109: {  	s14 =	sadd.s32 $0x10, s14;
	v6 =	vld [tilespmem:s12+$0x0]  }
0x10a: {  	_ =	sdelay $0x2  }
0x10b: {  	v7 =	vor.u32 s13, v2  }
.Ltmp14:
0x10c: {  	vm1 =	vle.s32 v7, v5;
	vm0 =	veq.s32 v6, v4;
	(pc) =	sbr.rel .LBB2_23-.Ltmp14, $4  }
0x10d: {  	vm2 =	vgt.s32 v6, v4;
	vm0 =	vmand vm1, vm0  }
0x10e: {  	vm0 =	vmor vm2, vm0  }
0x10f: {  	s11 =	sadd.s32 $0x10, s11;
	v4 =	vsel vm0, $0x3F800000, v3  }
0x110: {  	[tilespmem:s11+$0x0] =	vst v4  }
.LBB2_24:
0x111: {  	_ =	sfence.sel $0x180000  }
0x112: {  	[bflag:$0x0] =	sbarrier.arrive $0xFFFF  }
0x113: {  	p0 =	sne.s32 s1, $0x0;
	_ =	strace $0x90000047  }
0x114: {  	s0 =	sadd.s32 @!p0 $0x100000, s0;
	[bflag:$0x2] =	sbarrier.arrive $0xFFFF  }
0x115: {  	[sflag:s0] =	ssyncadd.tile.s32 @!p0 $0x1;
	_ =	shalt  }
.Lfunc_end2:
_tile_overlayer_lowered:
.L_overlay_start_2:
0x116: {  	(tag) =	ssettag $0x2  }
0x117: {  	s0 =	rddreg [dreg:$0x0];
	s2 =	stileid.u32  }
0x118: {  	s1 =	rddreg [dreg:$0x1];
	p0 =	sne.s32 s2, $0x0  }
0x119: {  	s3 =	rddreg [dreg:$0x2];
	[bflag:$0x3] =	sbarrier.arrive $0xFFFF;
	s2 =	simm.s32 @!p0 $0x1C01  }
0x11a: {  	[timem:s3], [sflag:s2] =	dma.local @!p0 [hbm:s0], s1  }
0x11b: {  	s0 =	simm.s32 @!p0 $0x1  }
0x11c: {  	_ =	swait.ge @!p0 [sflag:s0], s1  }
0x11d: {  	s1 =	ssub.s32 @!p0 $0x0, s1;
	[sflag:s0] =	ssyncset.done @!p0 $0x0  }
0x11e: {  	[sflag:s0] =	ssyncadd.s32 @!p0 s1  }
0x11f: {  	[bflag:$0x3] =	sbarrier.arrive $0xFFFF  }
0x120: {  	_ =	shalt  }

</sc_bundles>
